<compile_context>
chip_gen: v7x
topology: tpu7x:2x2x1
jax: 0.10.2.dev20260603
libtpu: 0.0.44.dev20260713+nightly
codegen_flags: <defaults>
</compile_context>

<pallas_src>
import jax
import jax.numpy as jnp
from jax import lax
from jax.experimental import pallas as pl
from jax.experimental.pallas import tpu as pltpu
from jax.experimental.pallas import tpu_sc as plsc

B, T, G, D = 1024, 50, 4, 128
OUT = 1000
R = 256
NW = 32
BPW = B // NW
L = 16


def _sc_body(idx_hbm, spans_hbm, table_hbm, sent_hbm,
             idx_v, spans_v, wbuf_v, rows0_v, rows1_v, out_v, sem0, sem1):
    c = lax.axis_index("c")
    s = lax.axis_index("s")
    wid = s * 2 + c
    base = wid * BPW

    pltpu.sync_copy(idx_hbm.at[pl.ds(base, BPW)], idx_v)
    pltpu.sync_copy(spans_hbm.at[pl.ds(base, BPW)], spans_v)

    def gather(j, rows, sem):
        for cch in range(2):
            pltpu.async_copy(table_hbm.at[idx_v.at[j, cch]],
                             rows.at[pl.ds(cch * 128, 128)], sem)

    def gwait(rows, sem):
        for cch in range(2):
            pltpu.make_async_copy(table_hbm.at[idx_v.at[0, cch]],
                                  rows.at[pl.ds(cch * 128, 128)], sem).wait()

    gather(0, rows0_v, sem0)

    def weights_batch(j, _):
        for i in range(R // L):
            r = jnp.arange(L, dtype=jnp.int32) + (i * L)
            q = r - 50
            t = jnp.clip(q >> 2, 0, T - 1)
            g = q & 3
            span = plsc.load_gather(spans_v, [jnp.broadcast_to(j, (L,)), t])
            denom = jnp.maximum(span, 1).astype(jnp.float32)
            w_ng = jnp.where(g < span, 1.0 / denom, 0.0)
            w = jnp.where(r < 50, 1.0,
                          jnp.where(r < 250, w_ng, 0.0)) * (1.0 / T)
            wbuf_v[j, pl.ds(i * L, L)] = w
        return ()

    lax.fori_loop(0, BPW, weights_batch, ())

    def pool(j, rows):
        def acc_step(r, a):
            w = plsc.load_gather(
                wbuf_v, [jnp.broadcast_to(j, (L,)), jnp.broadcast_to(r, (L,))])
            return tuple(a[d] + w * rows[r, pl.ds(d * L, L)]
                         for d in range(D // L))
        zeros = (jnp.zeros((L,), jnp.float32),) * (D // L)
        acc = plsc.parallel_loop(0, R, unroll=8, carry=zeros)(acc_step)
        for d in range(D // L):
            out_v[j, pl.ds(d * L, L)] = acc[d]

    def two_batches(k, _):
        j0 = 2 * k
        gwait(rows0_v, sem0)
        gather(j0 + 1, rows1_v, sem1)
        pool(j0, rows0_v)
        gwait(rows1_v, sem1)

        @pl.when(j0 + 2 < BPW)
        def _():
            gather(j0 + 2, rows0_v, sem0)

        pool(j0 + 1, rows1_v)
        return ()

    lax.fori_loop(0, BPW // 2, two_batches, ())
    pltpu.sync_copy(out_v, sent_hbm.at[pl.ds(base, BPW)])


@jax.jit
def _sc_pool(idx_all, spans_pad, table):
    mesh = plsc.VectorSubcoreMesh(core_axis_name="c", subcore_axis_name="s")
    fn = pl.kernel(
        _sc_body,
        out_type=jax.ShapeDtypeStruct((B, D), jnp.float32),
        mesh=mesh,
        scratch_types=[
            pltpu.VMEM((BPW, 2, 128), jnp.int32),
            pltpu.VMEM((BPW, 64), jnp.int32),
            pltpu.VMEM((BPW, R), jnp.float32),
            pltpu.VMEM((R, D), jnp.float32),
            pltpu.VMEM((R, D), jnp.float32),
            pltpu.VMEM((BPW, D), jnp.float32),
            pltpu.SemaphoreType.DMA,
            pltpu.SemaphoreType.DMA,
        ],
        compiler_params=pltpu.CompilerParams(needs_layout_passes=False),
    )
    return fn(idx_all, spans_pad, table)


def _mm_body(x_ref, w_ref, b_ref, o_ref):
    o_ref[...] = lax.dot_general(
        x_ref[...], w_ref[...], (((1,), (1,)), ((), ())),
        preferred_element_type=jnp.float32,
        precision=lax.Precision.HIGHEST,
    ) + b_ref[...]


@jax.jit
def _fc(sent, w, b2):
    return pl.pallas_call(
        _mm_body,
        out_shape=jax.ShapeDtypeStruct((B, OUT), jnp.float32),
    )(sent, w, b2)


@jax.jit
def kernel(ngrams, words, word_spans, table, W, b):
    idx_all = jnp.concatenate(
        [words, ngrams.reshape(B, T * G),
         jnp.zeros((B, R - T - T * G), jnp.int32)], axis=1).reshape(B, 2, 128)
    spans_pad = jnp.concatenate(
        [word_spans, jnp.zeros((B, 64 - T), jnp.int32)], axis=1)
    sent = _sc_pool(idx_all, spans_pad, table)
    return _fc(sent, W, b[None, :])

# --- scband reference (transcript-rebuilt; emitter-appended) ---
"""Pipeline reference for scband-fast-text-46694884442572 (READ-ONLY COPY).

The authoritative reference and input builder live on the scoring server;
editing this copy changes nothing except your own understanding.
"""

import jax, jax.numpy as jnp
import numpy as np

BUCKET_SIZE = 100000
EMBED_DIM = 128
OUTPUT_SIZE = 1000
B, T, G = 1024, 50, 4


def setup_inputs(seed: int = 0) -> dict:
    key = jax.random.key(seed)
    k1, k2, k3, k4, k5, k6 = jax.random.split(key, 6)
    ngrams = jax.random.randint(k1, (B, T, G), 0, BUCKET_SIZE, dtype=jnp.int64 if jax.config.jax_enable_x64 else jnp.int32).astype(jnp.int32)
    words = jax.random.randint(k2, (B, T), 0, BUCKET_SIZE).astype(jnp.int32)
    word_spans = jax.random.randint(k3, (B, T), 0, 5).astype(jnp.int32)
    table = jax.random.normal(k4, (BUCKET_SIZE, EMBED_DIM), dtype=jnp.float32) * 0.02
    W = jax.random.normal(k5, (OUTPUT_SIZE, EMBED_DIM), dtype=jnp.float32) * 0.02
    b = jnp.zeros((OUTPUT_SIZE,), dtype=jnp.float32)
    return {"ngrams": ngrams, "words": words, "word_spans": word_spans, "table": table, "W": W, "b": b}


def reference(ngrams, words, word_spans, table, W, b):
    # SubwordEmbedding: each word vector = word embedding + mean of its valid
    # subword-ngram embeddings (word_spans gives #valid ngrams per word).
    ng_emb = jnp.take(table, ngrams, axis=0)              # [B, T, G, D] gather
    mask = (jnp.arange(G)[None, None, :] < word_spans[:, :, None]).astype(jnp.float32)
    ng_sum = jnp.sum(ng_emb * mask[..., None], axis=2)    # [B, T, D]
    denom = jnp.maximum(word_spans, 1).astype(jnp.float32)[:, :, None]
    w_emb = jnp.take(table, words, axis=0)                # [B, T, D] gather
    y = w_emb + ng_sum / denom                            # [B, T, D]
    # get_sentence_vector: mean over sequence axis (axis=1)
    sent = jnp.mean(y, axis=1)                            # [B, D]
    # fc (CROSS_ENTROPY path): Linear(embed_dim, output_size)
    return sent @ W.T + b                                 # [B, OUTPUT_SIZE]

if __name__ == "__main__":
    import jax
    _d = setup_inputs()
    print(jax.jit(kernel)(*tuple(_d.values())))

</pallas_src>

<mosaic_0001>
#map = affine_map<(d0, d1) -> (0, 0, 0)>
#map1 = affine_map<(d0, d1) -> (0, 0)>
module attributes {stable_mosaic.version = 14 : i64} {
  func.func @_sc_body(%arg0: i32, %arg1: i32, %arg2: memref<1024x2x128xi32, #tpu.memory_space<hbm>>, %arg3: memref<1024x64xi32, #tpu.memory_space<hbm>>, %arg4: memref<100000x128xf32, #tpu.memory_space<hbm>>, %arg5: memref<1024x128xf32, #tpu.memory_space<hbm>>, %arg6: memref<32x2x128xi32, #tpu.memory_space<vmem>>, %arg7: memref<32x64xi32, #tpu.memory_space<vmem>>, %arg8: memref<32x256xf32, #tpu.memory_space<vmem>>, %arg9: memref<256x128xf32, #tpu.memory_space<vmem>>, %arg10: memref<256x128xf32, #tpu.memory_space<vmem>>, %arg11: memref<32x128xf32, #tpu.memory_space<vmem>>, %arg12: memref<!tpu.dma_semaphore, #tpu.memory_space<semaphore_mem>>, %arg13: memref<!tpu.dma_semaphore, #tpu.memory_space<semaphore_mem>>) attributes {dimension_semantics = [#tpu.dimension_semantics<core_parallel>, #tpu.dimension_semantics<subcore_parallel>], iteration_bounds = array<i64: 2, 16>, scalar_prefetch = 0 : i64, scratch_operands = 8 : i64, tpu.core_type = #tpu.core_type<sc_vector_subcore>, window_params = [{transform_indices = #map}, {transform_indices = #map1}, {transform_indices = #map1}, {transform_indices = #map1}]} {
    %mul3A = arith.constant 2 : i32
    %mul3A_0 = arith.muli %arg1, %mul3A : i32
    %add3A = arith.addi %mul3A_0, %arg0 : i32
    %mul3A_1 = arith.constant 32 : i32
    %mul3A_2 = arith.muli %add3A, %mul3A_1 : i32
    "tpu.region"() ({
      %run_scoped3A = tpu.sem_alloc : memref<!tpu.dma_semaphore, #tpu.memory_space<semaphore_mem>>
      %dma_start3A_33 = arith.constant 0 : i32
      %dma_start3A_34 = arith.constant 0 : i32
      %dma_start3A_35 = tpu.memref_slice %arg2[%mul3A_2, %dma_start3A_33, %dma_start3A_34] : memref<1024x2x128xi32, #tpu.memory_space<hbm>> -> memref<32x2x128xi32, #tpu.memory_space<hbm>>
      %dma_start3A_36 = arith.constant 0 : i32
      %dma_start3A_37 = arith.constant 0 : i32
      %dma_start3A_38 = tpu.memref_slice %arg2[%mul3A_2, %dma_start3A_36, %dma_start3A_37] : memref<1024x2x128xi32, #tpu.memory_space<hbm>> -> memref<32x2x128xi32, #tpu.memory_space<hbm>>
      tpu.enqueue_dma source(%dma_start3A_38 : memref<32x2x128xi32, #tpu.memory_space<hbm>>) target(%arg6 : memref<32x2x128xi32, #tpu.memory_space<vmem>>) target_semaphore(%run_scoped3A : memref<!tpu.dma_semaphore, #tpu.memory_space<semaphore_mem>>)
      %dma_wait3A = arith.constant 0 : i32
      %dma_wait3A_39 = arith.constant 0 : i32
      %dma_wait3A_40 = tpu.memref_slice %arg2[%mul3A_2, %dma_wait3A, %dma_wait3A_39] : memref<1024x2x128xi32, #tpu.memory_space<hbm>> -> memref<32x2x128xi32, #tpu.memory_space<hbm>>
      %dma_wait3A_41 = arith.constant 0 : i32
      %dma_wait3A_42 = arith.constant 0 : i32
      %dma_wait3A_43 = tpu.memref_slice %arg2[%mul3A_2, %dma_wait3A_41, %dma_wait3A_42] : memref<1024x2x128xi32, #tpu.memory_space<hbm>> -> memref<32x2x128xi32, #tpu.memory_space<hbm>>
      tpu.wait_dma2 semaphore(%run_scoped3A : memref<!tpu.dma_semaphore, #tpu.memory_space<semaphore_mem>>) src(%dma_wait3A_43 : memref<32x2x128xi32, #tpu.memory_space<hbm>>) dst(%arg6 : memref<32x2x128xi32, #tpu.memory_space<vmem>>)
      tpu.yield
    }) : () -> ()
    "tpu.region"() ({
      %run_scoped3A = tpu.sem_alloc : memref<!tpu.dma_semaphore, #tpu.memory_space<semaphore_mem>>
      %dma_start3A_33 = arith.constant 0 : i32
      %dma_start3A_34 = tpu.memref_slice %arg3[%mul3A_2, %dma_start3A_33] : memref<1024x64xi32, #tpu.memory_space<hbm>> -> memref<32x64xi32, #tpu.memory_space<hbm>>
      %dma_start3A_35 = arith.constant 0 : i32
      %dma_start3A_36 = tpu.memref_slice %arg3[%mul3A_2, %dma_start3A_35] : memref<1024x64xi32, #tpu.memory_space<hbm>> -> memref<32x64xi32, #tpu.memory_space<hbm>>
      tpu.enqueue_dma source(%dma_start3A_36 : memref<32x64xi32, #tpu.memory_space<hbm>>) target(%arg7 : memref<32x64xi32, #tpu.memory_space<vmem>>) target_semaphore(%run_scoped3A : memref<!tpu.dma_semaphore, #tpu.memory_space<semaphore_mem>>)
      %dma_wait3A = arith.constant 0 : i32
      %dma_wait3A_37 = tpu.memref_slice %arg3[%mul3A_2, %dma_wait3A] : memref<1024x64xi32, #tpu.memory_space<hbm>> -> memref<32x64xi32, #tpu.memory_space<hbm>>
      %dma_wait3A_38 = arith.constant 0 : i32
      %dma_wait3A_39 = tpu.memref_slice %arg3[%mul3A_2, %dma_wait3A_38] : memref<1024x64xi32, #tpu.memory_space<hbm>> -> memref<32x64xi32, #tpu.memory_space<hbm>>
      tpu.wait_dma2 semaphore(%run_scoped3A : memref<!tpu.dma_semaphore, #tpu.memory_space<semaphore_mem>>) src(%dma_wait3A_39 : memref<32x64xi32, #tpu.memory_space<hbm>>) dst(%arg7 : memref<32x64xi32, #tpu.memory_space<vmem>>)
      tpu.yield
    }) : () -> ()
    %dma_start3A = arith.constant 0 : i32
    %dma_start3A_3 = arith.constant 0 : i32
    %dma_start3A_4 = arith.constant 0 : i32
    %dma_start3A_5 = arith.constant 0 : i32
    %dma_start3A_6 = tpu.memref_slice %arg9[%dma_start3A_4, %dma_start3A_5] : memref<256x128xf32, #tpu.memory_space<vmem>> -> memref<128x128xf32, #tpu.memory_space<vmem>>
    %dma_start3A_7 = arith.constant 0 : i32
    %dma_start3A_8 = tpu.memref_slice %arg6[%dma_start3A, %dma_start3A_3, %dma_start3A_7] : memref<32x2x128xi32, #tpu.memory_space<vmem>> -> memref<1x1x128xi32, #tpu.memory_space<vmem>>
    %dma_start3A_9 = tpu.memref_squeeze %dma_start3A_8 : memref<1x1x128xi32, #tpu.memory_space<vmem>> -> memref<128xi32, #tpu.memory_space<vmem>>
    %dma_start3A_10 = arith.constant 0 : i32
    %dma_start3A_11 = arith.constant 0 : i32
    %dma_start3A_12 = tpu.memref_slice %arg4[%dma_start3A_10, %dma_start3A_11] : memref<100000x128xf32, #tpu.memory_space<hbm>> -> memref<100000x128xf32, #tpu.memory_space<hbm>>
    tpu.enqueue_indirect_dma source(%dma_start3A_12 : memref<100000x128xf32, #tpu.memory_space<hbm>>) target(%dma_start3A_6 : memref<128x128xf32, #tpu.memory_space<vmem>>) offsets(%dma_start3A_9 : memref<128xi32, #tpu.memory_space<vmem>>) semaphore(%arg12 : memref<!tpu.dma_semaphore, #tpu.memory_space<semaphore_mem>>)
    %dma_start3A_13 = arith.constant 0 : i32
    %dma_start3A_14 = arith.constant 1 : i32
    %dma_start3A_15 = arith.constant 128 : i32
    %dma_start3A_16 = arith.constant 0 : i32
    %dma_start3A_17 = tpu.memref_slice %arg9[%dma_start3A_15, %dma_start3A_16] : memref<256x128xf32, #tpu.memory_space<vmem>> -> memref<128x128xf32, #tpu.memory_space<vmem>>
    %dma_start3A_18 = arith.constant 0 : i32
    %dma_start3A_19 = tpu.memref_slice %arg6[%dma_start3A_13, %dma_start3A_14, %dma_start3A_18] : memref<32x2x128xi32, #tpu.memory_space<vmem>> -> memref<1x1x128xi32, #tpu.memory_space<vmem>>
    %dma_start3A_20 = tpu.memref_squeeze %dma_start3A_19 : memref<1x1x128xi32, #tpu.memory_space<vmem>> -> memref<128xi32, #tpu.memory_space<vmem>>
    %dma_start3A_21 = arith.constant 0 : i32
    %dma_start3A_22 = arith.constant 0 : i32
    %dma_start3A_23 = tpu.memref_slice %arg4[%dma_start3A_21, %dma_start3A_22] : memref<100000x128xf32, #tpu.memory_space<hbm>> -> memref<100000x128xf32, #tpu.memory_space<hbm>>
    tpu.enqueue_indirect_dma source(%dma_start3A_23 : memref<100000x128xf32, #tpu.memory_space<hbm>>) target(%dma_start3A_17 : memref<128x128xf32, #tpu.memory_space<vmem>>) offsets(%dma_start3A_20 : memref<128xi32, #tpu.memory_space<vmem>>) semaphore(%arg12 : memref<!tpu.dma_semaphore, #tpu.memory_space<semaphore_mem>>)
    %scan3A = arith.constant 0 : i32
    %scan3A_24 = arith.constant 32 : i32
    %scan3A_25 = arith.addi %scan3A, %scan3A_24 : i32
    %scan3A_26 = arith.constant 1 : i32
    scf.for %scan3A_33 = %scan3A to %scan3A_25 step %scan3A_26  : i32 {
      %iota3A = tpu.iota {dimensions = array<i32: 0>} : vector<16xi32>
      %add3A_34 = arith.constant 0 : i32
      %add3A_35 = vector.broadcast %add3A_34 : i32 to vector<16xi32>
      %add3A_36 = arith.addi %iota3A, %add3A_35 : vector<16xi32>
      %sub3A = arith.constant 50 : i32
      %sub3A_37 = vector.broadcast %sub3A : i32 to vector<16xi32>
      %sub3A_38 = arith.subi %add3A_36, %sub3A_37 : vector<16xi32>
      %shift_right_arithmetic3A = arith.constant 2 : i32
      %shift_right_arithmetic3A_39 = vector.broadcast %shift_right_arithmetic3A : i32 to vector<16xi32>
      %shift_right_arithmetic3A_40 = arith.shrsi %sub3A_38, %shift_right_arithmetic3A_39 : vector<16xi32>
      %jit3A = arith.constant 0 : i32
      %jit3A_41 = arith.constant 49 : i32
      %max3A = vector.broadcast %jit3A : i32 to vector<16xi32>
      %max3A_42 = arith.maxsi %max3A, %shift_right_arithmetic3A_40 : vector<16xi32>
      %min3A = vector.broadcast %jit3A_41 : i32 to vector<16xi32>
      %min3A_43 = arith.minsi %min3A, %max3A_42 : vector<16xi32>
      %and3A = arith.constant 3 : i32
      %and3A_44 = vector.broadcast %and3A : i32 to vector<16xi32>
      %and3A_45 = arith.andi %sub3A_38, %and3A_44 : vector<16xi32>
      %broadcast_in_dim3A = vector.broadcast %scan3A_33 : i32 to vector<16xi32>
      %gather3A = tpu.vector_load_idx %arg7[%broadcast_in_dim3A, %min3A_43] : memref<32x64xi32, #tpu.memory_space<vmem>>[vector<16xi32>, vector<16xi32>], vector<16xi32>,
      %max3A_46 = arith.constant 1 : i32
      %max3A_47 = vector.broadcast %max3A_46 : i32 to vector<16xi32>
      %max3A_48 = arith.maxsi %gather3A, %max3A_47 : vector<16xi32>
      %convert_element_type3A = arith.sitofp %max3A_48 : vector<16xi32> to vector<16xf32>
      %lt3A = arith.cmpi slt, %and3A_45, %gather3A : vector<16xi32>
      %div3A = arith.constant 1.000000e+00 : f32
      %div3A_49 = vector.broadcast %div3A : f32 to vector<16xf32>
      %div3A_50 = arith.divf %div3A_49, %convert_element_type3A : vector<16xf32>
      %jit3A_51 = arith.constant 0.000000e+00 : f32
      %broadcast_in_dim3A_52 = vector.broadcast %jit3A_51 : f32 to vector<16xf32>
      %select_n3A = arith.select %lt3A, %div3A_50, %broadcast_in_dim3A_52 : vector<16xi1>, vector<16xf32>
      %lt3A_53 = arith.constant 50 : i32
      %lt3A_54 = vector.broadcast %lt3A_53 : i32 to vector<16xi32>
      %lt3A_55 = arith.cmpi slt, %add3A_36, %lt3A_54 : vector<16xi32>
      %lt3A_56 = arith.constant 250 : i32
      %lt3A_57 = vector.broadcast %lt3A_56 : i32 to vector<16xi32>
      %lt3A_58 = arith.cmpi slt, %add3A_36, %lt3A_57 : vector<16xi32>
      %jit3A_59 = arith.constant 0.000000e+00 : f32
      %broadcast_in_dim3A_60 = vector.broadcast %jit3A_59 : f32 to vector<16xf32>
      %select_n3A_61 = arith.select %lt3A_58, %select_n3A, %broadcast_in_dim3A_60 : vector<16xi1>, vector<16xf32>
      %jit3A_62 = arith.constant 1.000000e+00 : f32
      %broadcast_in_dim3A_63 = vector.broadcast %jit3A_62 : f32 to vector<16xf32>
      %select_n3A_64 = arith.select %lt3A_55, %broadcast_in_dim3A_63, %select_n3A_61 : vector<16xi1>, vector<16xf32>
      %mul3A_65 = arith.constant 2.000000e-02 : f32
      %mul3A_66 = vector.broadcast %mul3A_65 : f32 to vector<16xf32>
      %mul3A_67 = arith.mulf %select_n3A_64, %mul3A_66 : vector<16xf32>
      %swap3A = arith.index_cast %scan3A_33 : i32 to index
      %swap3A_68 = arith.constant 0 : index
      %swap3A_69 = tpu.vector_load %arg8[%swap3A, %swap3A_68] {strides = array<i32>} : memref<32x256xf32, #tpu.memory_space<vmem>>, vector<16xf32>,
      tpu.vector_store %arg8[%swap3A, %swap3A_68], %mul3A_67 {strides = array<i32>} : memref<32x256xf32, #tpu.memory_space<vmem>>, vector<16xf32>,
      %iota3A_70 = tpu.iota {dimensions = array<i32: 0>} : vector<16xi32>
      %add3A_71 = arith.constant 16 : i32
      %add3A_72 = vector.broadcast %add3A_71 : i32 to vector<16xi32>
      %add3A_73 = arith.addi %iota3A_70, %add3A_72 : vector<16xi32>
      %sub3A_74 = arith.constant 50 : i32
      %sub3A_75 = vector.broadcast %sub3A_74 : i32 to vector<16xi32>
      %sub3A_76 = arith.subi %add3A_73, %sub3A_75 : vector<16xi32>
      %shift_right_arithmetic3A_77 = arith.constant 2 : i32
      %shift_right_arithmetic3A_78 = vector.broadcast %shift_right_arithmetic3A_77 : i32 to vector<16xi32>
      %shift_right_arithmetic3A_79 = arith.shrsi %sub3A_76, %shift_right_arithmetic3A_78 : vector<16xi32>
      %jit3A_80 = arith.constant 0 : i32
      %jit3A_81 = arith.constant 49 : i32
      %max3A_82 = vector.broadcast %jit3A_80 : i32 to vector<16xi32>
      %max3A_83 = arith.maxsi %max3A_82, %shift_right_arithmetic3A_79 : vector<16xi32>
      %min3A_84 = vector.broadcast %jit3A_81 : i32 to vector<16xi32>
      %min3A_85 = arith.minsi %min3A_84, %max3A_83 : vector<16xi32>
      %and3A_86 = arith.constant 3 : i32
      %and3A_87 = vector.broadcast %and3A_86 : i32 to vector<16xi32>
      %and3A_88 = arith.andi %sub3A_76, %and3A_87 : vector<16xi32>
      %broadcast_in_dim3A_89 = vector.broadcast %scan3A_33 : i32 to vector<16xi32>
      %gather3A_90 = tpu.vector_load_idx %arg7[%broadcast_in_dim3A_89, %min3A_85] : memref<32x64xi32, #tpu.memory_space<vmem>>[vector<16xi32>, vector<16xi32>], vector<16xi32>,
      %max3A_91 = arith.constant 1 : i32
      %max3A_92 = vector.broadcast %max3A_91 : i32 to vector<16xi32>
      %max3A_93 = arith.maxsi %gather3A_90, %max3A_92 : vector<16xi32>
      %convert_element_type3A_94 = arith.sitofp %max3A_93 : vector<16xi32> to vector<16xf32>
      %lt3A_95 = arith.cmpi slt, %and3A_88, %gather3A_90 : vector<16xi32>
      %div3A_96 = arith.constant 1.000000e+00 : f32
      %div3A_97 = vector.broadcast %div3A_96 : f32 to vector<16xf32>
      %div3A_98 = arith.divf %div3A_97, %convert_element_type3A_94 : vector<16xf32>
      %jit3A_99 = arith.constant 0.000000e+00 : f32
      %broadcast_in_dim3A_100 = vector.broadcast %jit3A_99 : f32 to vector<16xf32>
      %select_n3A_101 = arith.select %lt3A_95, %div3A_98, %broadcast_in_dim3A_100 : vector<16xi1>, vector<16xf32>
      %lt3A_102 = arith.constant 50 : i32
      %lt3A_103 = vector.broadcast %lt3A_102 : i32 to vector<16xi32>
      %lt3A_104 = arith.cmpi slt, %add3A_73, %lt3A_103 : vector<16xi32>
      %lt3A_105 = arith.constant 250 : i32
      %lt3A_106 = vector.broadcast %lt3A_105 : i32 to vector<16xi32>
      %lt3A_107 = arith.cmpi slt, %add3A_73, %lt3A_106 : vector<16xi32>
      %jit3A_108 = arith.constant 0.000000e+00 : f32
      %broadcast_in_dim3A_109 = vector.broadcast %jit3A_108 : f32 to vector<16xf32>
      %select_n3A_110 = arith.select %lt3A_107, %select_n3A_101, %broadcast_in_dim3A_109 : vector<16xi1>, vector<16xf32>
      %jit3A_111 = arith.constant 1.000000e+00 : f32
      %broadcast_in_dim3A_112 = vector.broadcast %jit3A_111 : f32 to vector<16xf32>
      %select_n3A_113 = arith.select %lt3A_104, %broadcast_in_dim3A_112, %select_n3A_110 : vector<16xi1>, vector<16xf32>
      %mul3A_114 = arith.constant 2.000000e-02 : f32
      %mul3A_115 = vector.broadcast %mul3A_114 : f32 to vector<16xf32>
      %mul3A_116 = arith.mulf %select_n3A_113, %mul3A_115 : vector<16xf32>
      %swap3A_117 = arith.index_cast %scan3A_33 : i32 to index
      %swap3A_118 = arith.constant 16 : index
      %swap3A_119 = tpu.vector_load %arg8[%swap3A_117, %swap3A_118] {strides = array<i32>} : memref<32x256xf32, #tpu.memory_space<vmem>>, vector<16xf32>,
      tpu.vector_store %arg8[%swap3A_117, %swap3A_118], %mul3A_116 {strides = array<i32>} : memref<32x256xf32, #tpu.memory_space<vmem>>, vector<16xf32>,
      %iota3A_120 = tpu.iota {dimensions = array<i32: 0>} : vector<16xi32>
      %add3A_121 = arith.constant 32 : i32
      %add3A_122 = vector.broadcast %add3A_121 : i32 to vector<16xi32>
      %add3A_123 = arith.addi %iota3A_120, %add3A_122 : vector<16xi32>
      %sub3A_124 = arith.constant 50 : i32
      %sub3A_125 = vector.broadcast %sub3A_124 : i32 to vector<16xi32>
      %sub3A_126 = arith.subi %add3A_123, %sub3A_125 : vector<16xi32>
      %shift_right_arithmetic3A_127 = arith.constant 2 : i32
      %shift_right_arithmetic3A_128 = vector.broadcast %shift_right_arithmetic3A_127 : i32 to vector<16xi32>
      %shift_right_arithmetic3A_129 = arith.shrsi %sub3A_126, %shift_right_arithmetic3A_128 : vector<16xi32>
      %jit3A_130 = arith.constant 0 : i32
      %jit3A_131 = arith.constant 49 : i32
      %max3A_132 = vector.broadcast %jit3A_130 : i32 to vector<16xi32>
      %max3A_133 = arith.maxsi %max3A_132, %shift_right_arithmetic3A_129 : vector<16xi32>
      %min3A_134 = vector.broadcast %jit3A_131 : i32 to vector<16xi32>
      %min3A_135 = arith.minsi %min3A_134, %max3A_133 : vector<16xi32>
      %and3A_136 = arith.constant 3 : i32
      %and3A_137 = vector.broadcast %and3A_136 : i32 to vector<16xi32>
      %and3A_138 = arith.andi %sub3A_126, %and3A_137 : vector<16xi32>
      %broadcast_in_dim3A_139 = vector.broadcast %scan3A_33 : i32 to vector<16xi32>
      %gather3A_140 = tpu.vector_load_idx %arg7[%broadcast_in_dim3A_139, %min3A_135] : memref<32x64xi32, #tpu.memory_space<vmem>>[vector<16xi32>, vector<16xi32>], vector<16xi32>,
      %max3A_141 = arith.constant 1 : i32
      %max3A_142 = vector.broadcast %max3A_141 : i32 to vector<16xi32>
      %max3A_143 = arith.maxsi %gather3A_140, %max3A_142 : vector<16xi32>
      %convert_element_type3A_144 = arith.sitofp %max3A_143 : vector<16xi32> to vector<16xf32>
      %lt3A_145 = arith.cmpi slt, %and3A_138, %gather3A_140 : vector<16xi32>
      %div3A_146 = arith.constant 1.000000e+00 : f32
      %div3A_147 = vector.broadcast %div3A_146 : f32 to vector<16xf32>
      %div3A_148 = arith.divf %div3A_147, %convert_element_type3A_144 : vector<16xf32>
      %jit3A_149 = arith.constant 0.000000e+00 : f32
      %broadcast_in_dim3A_150 = vector.broadcast %jit3A_149 : f32 to vector<16xf32>
      %select_n3A_151 = arith.select %lt3A_145, %div3A_148, %broadcast_in_dim3A_150 : vector<16xi1>, vector<16xf32>
      %lt3A_152 = arith.constant 50 : i32
      %lt3A_153 = vector.broadcast %lt3A_152 : i32 to vector<16xi32>
      %lt3A_154 = arith.cmpi slt, %add3A_123, %lt3A_153 : vector<16xi32>
      %lt3A_155 = arith.constant 250 : i32
      %lt3A_156 = vector.broadcast %lt3A_155 : i32 to vector<16xi32>
      %lt3A_157 = arith.cmpi slt, %add3A_123, %lt3A_156 : vector<16xi32>
      %jit3A_158 = arith.constant 0.000000e+00 : f32
      %broadcast_in_dim3A_159 = vector.broadcast %jit3A_158 : f32 to vector<16xf32>
      %select_n3A_160 = arith.select %lt3A_157, %select_n3A_151, %broadcast_in_dim3A_159 : vector<16xi1>, vector<16xf32>
      %jit3A_161 = arith.constant 1.000000e+00 : f32
      %broadcast_in_dim3A_162 = vector.broadcast %jit3A_161 : f32 to vector<16xf32>
      %select_n3A_163 = arith.select %lt3A_154, %broadcast_in_dim3A_162, %select_n3A_160 : vector<16xi1>, vector<16xf32>
      %mul3A_164 = arith.constant 2.000000e-02 : f32
      %mul3A_165 = vector.broadcast %mul3A_164 : f32 to vector<16xf32>
      %mul3A_166 = arith.mulf %select_n3A_163, %mul3A_165 : vector<16xf32>
      %swap3A_167 = arith.index_cast %scan3A_33 : i32 to index
      %swap3A_168 = arith.constant 32 : index
      %swap3A_169 = tpu.vector_load %arg8[%swap3A_167, %swap3A_168] {strides = array<i32>} : memref<32x256xf32, #tpu.memory_space<vmem>>, vector<16xf32>,
      tpu.vector_store %arg8[%swap3A_167, %swap3A_168], %mul3A_166 {strides = array<i32>} : memref<32x256xf32, #tpu.memory_space<vmem>>, vector<16xf32>,
      %iota3A_170 = tpu.iota {dimensions = array<i32: 0>} : vector<16xi32>
      %add3A_171 = arith.constant 48 : i32
      %add3A_172 = vector.broadcast %add3A_171 : i32 to vector<16xi32>
      %add3A_173 = arith.addi %iota3A_170, %add3A_172 : vector<16xi32>
      %sub3A_174 = arith.constant 50 : i32
      %sub3A_175 = vector.broadcast %sub3A_174 : i32 to vector<16xi32>
      %sub3A_176 = arith.subi %add3A_173, %sub3A_175 : vector<16xi32>
      %shift_right_arithmetic3A_177 = arith.constant 2 : i32
      %shift_right_arithmetic3A_178 = vector.broadcast %shift_right_arithmetic3A_177 : i32 to vector<16xi32>
      %shift_right_arithmetic3A_179 = arith.shrsi %sub3A_176, %shift_right_arithmetic3A_178 : vector<16xi32>
      %jit3A_180 = arith.constant 0 : i32
      %jit3A_181 = arith.constant 49 : i32
      %max3A_182 = vector.broadcast %jit3A_180 : i32 to vector<16xi32>
      %max3A_183 = arith.maxsi %max3A_182, %shift_right_arithmetic3A_179 : vector<16xi32>
      %min3A_184 = vector.broadcast %jit3A_181 : i32 to vector<16xi32>
      %min3A_185 = arith.minsi %min3A_184, %max3A_183 : vector<16xi32>
      %and3A_186 = arith.constant 3 : i32
      %and3A_187 = vector.broadcast %and3A_186 : i32 to vector<16xi32>
      %and3A_188 = arith.andi %sub3A_176, %and3A_187 : vector<16xi32>
      %broadcast_in_dim3A_189 = vector.broadcast %scan3A_33 : i32 to vector<16xi32>
      %gather3A_190 = tpu.vector_load_idx %arg7[%broadcast_in_dim3A_189, %min3A_185] : memref<32x64xi32, #tpu.memory_space<vmem>>[vector<16xi32>, vector<16xi32>], vector<16xi32>,
      %max3A_191 = arith.constant 1 : i32
      %max3A_192 = vector.broadcast %max3A_191 : i32 to vector<16xi32>
      %max3A_193 = arith.maxsi %gather3A_190, %max3A_192 : vector<16xi32>
      %convert_element_type3A_194 = arith.sitofp %max3A_193 : vector<16xi32> to vector<16xf32>
      %lt3A_195 = arith.cmpi slt, %and3A_188, %gather3A_190 : vector<16xi32>
      %div3A_196 = arith.constant 1.000000e+00 : f32
      %div3A_197 = vector.broadcast %div3A_196 : f32 to vector<16xf32>
      %div3A_198 = arith.divf %div3A_197, %convert_element_type3A_194 : vector<16xf32>
      %jit3A_199 = arith.constant 0.000000e+00 : f32
      %broadcast_in_dim3A_200 = vector.broadcast %jit3A_199 : f32 to vector<16xf32>
      %select_n3A_201 = arith.select %lt3A_195, %div3A_198, %broadcast_in_dim3A_200 : vector<16xi1>, vector<16xf32>
      %lt3A_202 = arith.constant 50 : i32
      %lt3A_203 = vector.broadcast %lt3A_202 : i32 to vector<16xi32>
      %lt3A_204 = arith.cmpi slt, %add3A_173, %lt3A_203 : vector<16xi32>
      %lt3A_205 = arith.constant 250 : i32
      %lt3A_206 = vector.broadcast %lt3A_205 : i32 to vector<16xi32>
      %lt3A_207 = arith.cmpi slt, %add3A_173, %lt3A_206 : vector<16xi32>
      %jit3A_208 = arith.constant 0.000000e+00 : f32
      %broadcast_in_dim3A_209 = vector.broadcast %jit3A_208 : f32 to vector<16xf32>
      %select_n3A_210 = arith.select %lt3A_207, %select_n3A_201, %broadcast_in_dim3A_209 : vector<16xi1>, vector<16xf32>
      %jit3A_211 = arith.constant 1.000000e+00 : f32
      %broadcast_in_dim3A_212 = vector.broadcast %jit3A_211 : f32 to vector<16xf32>
      %select_n3A_213 = arith.select %lt3A_204, %broadcast_in_dim3A_212, %select_n3A_210 : vector<16xi1>, vector<16xf32>
      %mul3A_214 = arith.constant 2.000000e-02 : f32
      %mul3A_215 = vector.broadcast %mul3A_214 : f32 to vector<16xf32>
      %mul3A_216 = arith.mulf %select_n3A_213, %mul3A_215 : vector<16xf32>
      %swap3A_217 = arith.index_cast %scan3A_33 : i32 to index
      %swap3A_218 = arith.constant 48 : index
      %swap3A_219 = tpu.vector_load %arg8[%swap3A_217, %swap3A_218] {strides = array<i32>} : memref<32x256xf32, #tpu.memory_space<vmem>>, vector<16xf32>,
      tpu.vector_store %arg8[%swap3A_217, %swap3A_218], %mul3A_216 {strides = array<i32>} : memref<32x256xf32, #tpu.memory_space<vmem>>, vector<16xf32>,
      %iota3A_220 = tpu.iota {dimensions = array<i32: 0>} : vector<16xi32>
      %add3A_221 = arith.constant 64 : i32
      %add3A_222 = vector.broadcast %add3A_221 : i32 to vector<16xi32>
      %add3A_223 = arith.addi %iota3A_220, %add3A_222 : vector<16xi32>
      %sub3A_224 = arith.constant 50 : i32
      %sub3A_225 = vector.broadcast %sub3A_224 : i32 to vector<16xi32>
      %sub3A_226 = arith.subi %add3A_223, %sub3A_225 : vector<16xi32>
      %shift_right_arithmetic3A_227 = arith.constant 2 : i32
      %shift_right_arithmetic3A_228 = vector.broadcast %shift_right_arithmetic3A_227 : i32 to vector<16xi32>
      %shift_right_arithmetic3A_229 = arith.shrsi %sub3A_226, %shift_right_arithmetic3A_228 : vector<16xi32>
      %jit3A_230 = arith.constant 0 : i32
      %jit3A_231 = arith.constant 49 : i32
      %max3A_232 = vector.broadcast %jit3A_230 : i32 to vector<16xi32>
      %max3A_233 = arith.maxsi %max3A_232, %shift_right_arithmetic3A_229 : vector<16xi32>
      %min3A_234 = vector.broadcast %jit3A_231 : i32 to vector<16xi32>
      %min3A_235 = arith.minsi %min3A_234, %max3A_233 : vector<16xi32>
      %and3A_236 = arith.constant 3 : i32
      %and3A_237 = vector.broadcast %and3A_236 : i32 to vector<16xi32>
      %and3A_238 = arith.andi %sub3A_226, %and3A_237 : vector<16xi32>
      %broadcast_in_dim3A_239 = vector.broadcast %scan3A_33 : i32 to vector<16xi32>
      %gather3A_240 = tpu.vector_load_idx %arg7[%broadcast_in_dim3A_239, %min3A_235] : memref<32x64xi32, #tpu.memory_space<vmem>>[vector<16xi32>, vector<16xi32>], vector<16xi32>,
      %max3A_241 = arith.constant 1 : i32
      %max3A_242 = vector.broadcast %max3A_241 : i32 to vector<16xi32>
      %max3A_243 = arith.maxsi %gather3A_240, %max3A_242 : vector<16xi32>
      %convert_element_type3A_244 = arith.sitofp %max3A_243 : vector<16xi32> to vector<16xf32>
      %lt3A_245 = arith.cmpi slt, %and3A_238, %gather3A_240 : vector<16xi32>
      %div3A_246 = arith.constant 1.000000e+00 : f32
      %div3A_247 = vector.broadcast %div3A_246 : f32 to vector<16xf32>
      %div3A_248 = arith.divf %div3A_247, %convert_element_type3A_244 : vector<16xf32>
      %jit3A_249 = arith.constant 0.000000e+00 : f32
      %broadcast_in_dim3A_250 = vector.broadcast %jit3A_249 : f32 to vector<16xf32>
      %select_n3A_251 = arith.select %lt3A_245, %div3A_248, %broadcast_in_dim3A_250 : vector<16xi1>, vector<16xf32>
      %lt3A_252 = arith.constant 50 : i32
      %lt3A_253 = vector.broadcast %lt3A_252 : i32 to vector<16xi32>
      %lt3A_254 = arith.cmpi slt, %add3A_223, %lt3A_253 : vector<16xi32>
      %lt3A_255 = arith.constant 250 : i32
      %lt3A_256 = vector.broadcast %lt3A_255 : i32 to vector<16xi32>
      %lt3A_257 = arith.cmpi slt, %add3A_223, %lt3A_256 : vector<16xi32>
      %jit3A_258 = arith.constant 0.000000e+00 : f32
      %broadcast_in_dim3A_259 = vector.broadcast %jit3A_258 : f32 to vector<16xf32>
      %select_n3A_260 = arith.select %lt3A_257, %select_n3A_251, %broadcast_in_dim3A_259 : vector<16xi1>, vector<16xf32>
      %jit3A_261 = arith.constant 1.000000e+00 : f32
      %broadcast_in_dim3A_262 = vector.broadcast %jit3A_261 : f32 to vector<16xf32>
      %select_n3A_263 = arith.select %lt3A_254, %broadcast_in_dim3A_262, %select_n3A_260 : vector<16xi1>, vector<16xf32>
      %mul3A_264 = arith.constant 2.000000e-02 : f32
      %mul3A_265 = vector.broadcast %mul3A_264 : f32 to vector<16xf32>
      %mul3A_266 = arith.mulf %select_n3A_263, %mul3A_265 : vector<16xf32>
      %swap3A_267 = arith.index_cast %scan3A_33 : i32 to index
      %swap3A_268 = arith.constant 64 : index
      %swap3A_269 = tpu.vector_load %arg8[%swap3A_267, %swap3A_268] {strides = array<i32>} : memref<32x256xf32, #tpu.memory_space<vmem>>, vector<16xf32>,
      tpu.vector_store %arg8[%swap3A_267, %swap3A_268], %mul3A_266 {strides = array<i32>} : memref<32x256xf32, #tpu.memory_space<vmem>>, vector<16xf32>,
      %iota3A_270 = tpu.iota {dimensions = array<i32: 0>} : vector<16xi32>
      %add3A_271 = arith.constant 80 : i32
      %add3A_272 = vector.broadcast %add3A_271 : i32 to vector<16xi32>
      %add3A_273 = arith.addi %iota3A_270, %add3A_272 : vector<16xi32>
      %sub3A_274 = arith.constant 50 : i32
      %sub3A_275 = vector.broadcast %sub3A_274 : i32 to vector<16xi32>
      %sub3A_276 = arith.subi %add3A_273, %sub3A_275 : vector<16xi32>
      %shift_right_arithmetic3A_277 = arith.constant 2 : i32
      %shift_right_arithmetic3A_278 = vector.broadcast %shift_right_arithmetic3A_277 : i32 to vector<16xi32>
      %shift_right_arithmetic3A_279 = arith.shrsi %sub3A_276, %shift_right_arithmetic3A_278 : vector<16xi32>
      %jit3A_280 = arith.constant 0 : i32
      %jit3A_281 = arith.constant 49 : i32
      %max3A_282 = vector.broadcast %jit3A_280 : i32 to vector<16xi32>
      %max3A_283 = arith.maxsi %max3A_282, %shift_right_arithmetic3A_279 : vector<16xi32>
      %min3A_284 = vector.broadcast %jit3A_281 : i32 to vector<16xi32>
      %min3A_285 = arith.minsi %min3A_284, %max3A_283 : vector<16xi32>
      %and3A_286 = arith.constant 3 : i32
      %and3A_287 = vector.broadcast %and3A_286 : i32 to vector<16xi32>
      %and3A_288 = arith.andi %sub3A_276, %and3A_287 : vector<16xi32>
      %broadcast_in_dim3A_289 = vector.broadcast %scan3A_33 : i32 to vector<16xi32>
      %gather3A_290 = tpu.vector_load_idx %arg7[%broadcast_in_dim3A_289, %min3A_285] : memref<32x64xi32, #tpu.memory_space<vmem>>[vector<16xi32>, vector<16xi32>], vector<16xi32>,
      %max3A_291 = arith.constant 1 : i32
      %max3A_292 = vector.broadcast %max3A_291 : i32 to vector<16xi32>
      %max3A_293 = arith.maxsi %gather3A_290, %max3A_292 : vector<16xi32>
      %convert_element_type3A_294 = arith.sitofp %max3A_293 : vector<16xi32> to vector<16xf32>
      %lt3A_295 = arith.cmpi slt, %and3A_288, %gather3A_290 : vector<16xi32>
      %div3A_296 = arith.constant 1.000000e+00 : f32
      %div3A_297 = vector.broadcast %div3A_296 : f32 to vector<16xf32>
      %div3A_298 = arith.divf %div3A_297, %convert_element_type3A_294 : vector<16xf32>
      %jit3A_299 = arith.constant 0.000000e+00 : f32
      %broadcast_in_dim3A_300 = vector.broadcast %jit3A_299 : f32 to vector<16xf32>
      %select_n3A_301 = arith.select %lt3A_295, %div3A_298, %broadcast_in_dim3A_300 : vector<16xi1>, vector<16xf32>
      %lt3A_302 = arith.constant 50 : i32
      %lt3A_303 = vector.broadcast %lt3A_302 : i32 to vector<16xi32>
      %lt3A_304 = arith.cmpi slt, %add3A_273, %lt3A_303 : vector<16xi32>
      %lt3A_305 = arith.constant 250 : i32
      %lt3A_306 = vector.broadcast %lt3A_305 : i32 to vector<16xi32>
      %lt3A_307 = arith.cmpi slt, %add3A_273, %lt3A_306 : vector<16xi32>
      %jit3A_308 = arith.constant 0.000000e+00 : f32
      %broadcast_in_dim3A_309 = vector.broadcast %jit3A_308 : f32 to vector<16xf32>
      %select_n3A_310 = arith.select %lt3A_307, %select_n3A_301, %broadcast_in_dim3A_309 : vector<16xi1>, vector<16xf32>
      %jit3A_311 = arith.constant 1.000000e+00 : f32
      %broadcast_in_dim3A_312 = vector.broadcast %jit3A_311 : f32 to vector<16xf32>
      %select_n3A_313 = arith.select %lt3A_304, %broadcast_in_dim3A_312, %select_n3A_310 : vector<16xi1>, vector<16xf32>
      %mul3A_314 = arith.constant 2.000000e-02 : f32
      %mul3A_315 = vector.broadcast %mul3A_314 : f32 to vector<16xf32>
      %mul3A_316 = arith.mulf %select_n3A_313, %mul3A_315 : vector<16xf32>
      %swap3A_317 = arith.index_cast %scan3A_33 : i32 to index
      %swap3A_318 = arith.constant 80 : index
      %swap3A_319 = tpu.vector_load %arg8[%swap3A_317, %swap3A_318] {strides = array<i32>} : memref<32x256xf32, #tpu.memory_space<vmem>>, vector<16xf32>,
      tpu.vector_store %arg8[%swap3A_317, %swap3A_318], %mul3A_316 {strides = array<i32>} : memref<32x256xf32, #tpu.memory_space<vmem>>, vector<16xf32>,
      %iota3A_320 = tpu.iota {dimensions = array<i32: 0>} : vector<16xi32>
      %add3A_321 = arith.constant 96 : i32
      %add3A_322 = vector.broadcast %add3A_321 : i32 to vector<16xi32>
      %add3A_323 = arith.addi %iota3A_320, %add3A_322 : vector<16xi32>
      %sub3A_324 = arith.constant 50 : i32
      %sub3A_325 = vector.broadcast %sub3A_324 : i32 to vector<16xi32>
      %sub3A_326 = arith.subi %add3A_323, %sub3A_325 : vector<16xi32>
      %shift_right_arithmetic3A_327 = arith.constant 2 : i32
      %shift_right_arithmetic3A_328 = vector.broadcast %shift_right_arithmetic3A_327 : i32 to vector<16xi32>
      %shift_right_arithmetic3A_329 = arith.shrsi %sub3A_326, %shift_right_arithmetic3A_328 : vector<16xi32>
      %jit3A_330 = arith.constant 0 : i32
      %jit3A_331 = arith.constant 49 : i32
      %max3A_332 = vector.broadcast %jit3A_330 : i32 to vector<16xi32>
      %max3A_333 = arith.maxsi %max3A_332, %shift_right_arithmetic3A_329 : vector<16xi32>
      %min3A_334 = vector.broadcast %jit3A_331 : i32 to vector<16xi32>
      %min3A_335 = arith.minsi %min3A_334, %max3A_333 : vector<16xi32>
      %and3A_336 = arith.constant 3 : i32
      %and3A_337 = vector.broadcast %and3A_336 : i32 to vector<16xi32>
      %and3A_338 = arith.andi %sub3A_326, %and3A_337 : vector<16xi32>
      %broadcast_in_dim3A_339 = vector.broadcast %scan3A_33 : i32 to vector<16xi32>
      %gather3A_340 = tpu.vector_load_idx %arg7[%broadcast_in_dim3A_339, %min3A_335] : memref<32x64xi32, #tpu.memory_space<vmem>>[vector<16xi32>, vector<16xi32>], vector<16xi32>,
      %max3A_341 = arith.constant 1 : i32
      %max3A_342 = vector.broadcast %max3A_341 : i32 to vector<16xi32>
      %max3A_343 = arith.maxsi %gather3A_340, %max3A_342 : vector<16xi32>
      %convert_element_type3A_344 = arith.sitofp %max3A_343 : vector<16xi32> to vector<16xf32>
      %lt3A_345 = arith.cmpi slt, %and3A_338, %gather3A_340 : vector<16xi32>
      %div3A_346 = arith.constant 1.000000e+00 : f32
      %div3A_347 = vector.broadcast %div3A_346 : f32 to vector<16xf32>
      %div3A_348 = arith.divf %div3A_347, %convert_element_type3A_344 : vector<16xf32>
      %jit3A_349 = arith.constant 0.000000e+00 : f32
      %broadcast_in_dim3A_350 = vector.broadcast %jit3A_349 : f32 to vector<16xf32>
      %select_n3A_351 = arith.select %lt3A_345, %div3A_348, %broadcast_in_dim3A_350 : vector<16xi1>, vector<16xf32>
      %lt3A_352 = arith.constant 50 : i32
      %lt3A_353 = vector.broadcast %lt3A_352 : i32 to vector<16xi32>
      %lt3A_354 = arith.cmpi slt, %add3A_323, %lt3A_353 : vector<16xi32>
      %lt3A_355 = arith.constant 250 : i32
      %lt3A_356 = vector.broadcast %lt3A_355 : i32 to vector<16xi32>
      %lt3A_357 = arith.cmpi slt, %add3A_323, %lt3A_356 : vector<16xi32>
      %jit3A_358 = arith.constant 0.000000e+00 : f32
      %broadcast_in_dim3A_359 = vector.broadcast %jit3A_358 : f32 to vector<16xf32>
      %select_n3A_360 = arith.select %lt3A_357, %select_n3A_351, %broadcast_in_dim3A_359 : vector<16xi1>, vector<16xf32>
      %jit3A_361 = arith.constant 1.000000e+00 : f32
      %broadcast_in_dim3A_362 = vector.broadcast %jit3A_361 : f32 to vector<16xf32>
      %select_n3A_363 = arith.select %lt3A_354, %broadcast_in_dim3A_362, %select_n3A_360 : vector<16xi1>, vector<16xf32>
      %mul3A_364 = arith.constant 2.000000e-02 : f32
      %mul3A_365 = vector.broadcast %mul3A_364 : f32 to vector<16xf32>
      %mul3A_366 = arith.mulf %select_n3A_363, %mul3A_365 : vector<16xf32>
      %swap3A_367 = arith.index_cast %scan3A_33 : i32 to index
      %swap3A_368 = arith.constant 96 : index
      %swap3A_369 = tpu.vector_load %arg8[%swap3A_367, %swap3A_368] {strides = array<i32>} : memref<32x256xf32, #tpu.memory_space<vmem>>, vector<16xf32>,
      tpu.vector_store %arg8[%swap3A_367, %swap3A_368], %mul3A_366 {strides = array<i32>} : memref<32x256xf32, #tpu.memory_space<vmem>>, vector<16xf32>,
      %iota3A_370 = tpu.iota {dimensions = array<i32: 0>} : vector<16xi32>
      %add3A_371 = arith.constant 112 : i32
      %add3A_372 = vector.broadcast %add3A_371 : i32 to vector<16xi32>
      %add3A_373 = arith.addi %iota3A_370, %add3A_372 : vector<16xi32>
      %sub3A_374 = arith.constant 50 : i32
      %sub3A_375 = vector.broadcast %sub3A_374 : i32 to vector<16xi32>
      %sub3A_376 = arith.subi %add3A_373, %sub3A_375 : vector<16xi32>
      %shift_right_arithmetic3A_377 = arith.constant 2 : i32
      %shift_right_arithmetic3A_378 = vector.broadcast %shift_right_arithmetic3A_377 : i32 to vector<16xi32>
      %shift_right_arithmetic3A_379 = arith.shrsi %sub3A_376, %shift_right_arithmetic3A_378 : vector<16xi32>
      %jit3A_380 = arith.constant 0 : i32
      %jit3A_381 = arith.constant 49 : i32
      %max3A_382 = vector.broadcast %jit3A_380 : i32 to vector<16xi32>
      %max3A_383 = arith.maxsi %max3A_382, %shift_right_arithmetic3A_379 : vector<16xi32>
      %min3A_384 = vector.broadcast %jit3A_381 : i32 to vector<16xi32>
      %min3A_385 = arith.minsi %min3A_384, %max3A_383 : vector<16xi32>
      %and3A_386 = arith.constant 3 : i32
      %and3A_387 = vector.broadcast %and3A_386 : i32 to vector<16xi32>
      %and3A_388 = arith.andi %sub3A_376, %and3A_387 : vector<16xi32>
      %broadcast_in_dim3A_389 = vector.broadcast %scan3A_33 : i32 to vector<16xi32>
      %gather3A_390 = tpu.vector_load_idx %arg7[%broadcast_in_dim3A_389, %min3A_385] : memref<32x64xi32, #tpu.memory_space<vmem>>[vector<16xi32>, vector<16xi32>], vector<16xi32>,
      %max3A_391 = arith.constant 1 : i32
      %max3A_392 = vector.broadcast %max3A_391 : i32 to vector<16xi32>
      %max3A_393 = arith.maxsi %gather3A_390, %max3A_392 : vector<16xi32>
      %convert_element_type3A_394 = arith.sitofp %max3A_393 : vector<16xi32> to vector<16xf32>
      %lt3A_395 = arith.cmpi slt, %and3A_388, %gather3A_390 : vector<16xi32>
      %div3A_396 = arith.constant 1.000000e+00 : f32
      %div3A_397 = vector.broadcast %div3A_396 : f32 to vector<16xf32>
      %div3A_398 = arith.divf %div3A_397, %convert_element_type3A_394 : vector<16xf32>
      %jit3A_399 = arith.constant 0.000000e+00 : f32
      %broadcast_in_dim3A_400 = vector.broadcast %jit3A_399 : f32 to vector<16xf32>
      %select_n3A_401 = arith.select %lt3A_395, %div3A_398, %broadcast_in_dim3A_400 : vector<16xi1>, vector<16xf32>
      %lt3A_402 = arith.constant 50 : i32
      %lt3A_403 = vector.broadcast %lt3A_402 : i32 to vector<16xi32>
      %lt3A_404 = arith.cmpi slt, %add3A_373, %lt3A_403 : vector<16xi32>
      %lt3A_405 = arith.constant 250 : i32
      %lt3A_406 = vector.broadcast %lt3A_405 : i32 to vector<16xi32>
      %lt3A_407 = arith.cmpi slt, %add3A_373, %lt3A_406 : vector<16xi32>
      %jit3A_408 = arith.constant 0.000000e+00 : f32
      %broadcast_in_dim3A_409 = vector.broadcast %jit3A_408 : f32 to vector<16xf32>
      %select_n3A_410 = arith.select %lt3A_407, %select_n3A_401, %broadcast_in_dim3A_409 : vector<16xi1>, vector<16xf32>
      %jit3A_411 = arith.constant 1.000000e+00 : f32
      %broadcast_in_dim3A_412 = vector.broadcast %jit3A_411 : f32 to vector<16xf32>
      %select_n3A_413 = arith.select %lt3A_404, %broadcast_in_dim3A_412, %select_n3A_410 : vector<16xi1>, vector<16xf32>
      %mul3A_414 = arith.constant 2.000000e-02 : f32
      %mul3A_415 = vector.broadcast %mul3A_414 : f32 to vector<16xf32>
      %mul3A_416 = arith.mulf %select_n3A_413, %mul3A_415 : vector<16xf32>
      %swap3A_417 = arith.index_cast %scan3A_33 : i32 to index
      %swap3A_418 = arith.constant 112 : index
      %swap3A_419 = tpu.vector_load %arg8[%swap3A_417, %swap3A_418] {strides = array<i32>} : memref<32x256xf32, #tpu.memory_space<vmem>>, vector<16xf32>,
      tpu.vector_store %arg8[%swap3A_417, %swap3A_418], %mul3A_416 {strides = array<i32>} : memref<32x256xf32, #tpu.memory_space<vmem>>, vector<16xf32>,
      %iota3A_420 = tpu.iota {dimensions = array<i32: 0>} : vector<16xi32>
      %add3A_421 = arith.constant 128 : i32
      %add3A_422 = vector.broadcast %add3A_421 : i32 to vector<16xi32>
      %add3A_423 = arith.addi %iota3A_420, %add3A_422 : vector<16xi32>
      %sub3A_424 = arith.constant 50 : i32
      %sub3A_425 = vector.broadcast %sub3A_424 : i32 to vector<16xi32>
      %sub3A_426 = arith.subi %add3A_423, %sub3A_425 : vector<16xi32>
      %shift_right_arithmetic3A_427 = arith.constant 2 : i32
      %shift_right_arithmetic3A_428 = vector.broadcast %shift_right_arithmetic3A_427 : i32 to vector<16xi32>
      %shift_right_arithmetic3A_429 = arith.shrsi %sub3A_426, %shift_right_arithmetic3A_428 : vector<16xi32>
      %jit3A_430 = arith.constant 0 : i32
      %jit3A_431 = arith.constant 49 : i32
      %max3A_432 = vector.broadcast %jit3A_430 : i32 to vector<16xi32>
      %max3A_433 = arith.maxsi %max3A_432, %shift_right_arithmetic3A_429 : vector<16xi32>
      %min3A_434 = vector.broadcast %jit3A_431 : i32 to vector<16xi32>
      %min3A_435 = arith.minsi %min3A_434, %max3A_433 : vector<16xi32>
      %and3A_436 = arith.constant 3 : i32
      %and3A_437 = vector.broadcast %and3A_436 : i32 to vector<16xi32>
      %and3A_438 = arith.andi %sub3A_426, %and3A_437 : vector<16xi32>
      %broadcast_in_dim3A_439 = vector.broadcast %scan3A_33 : i32 to vector<16xi32>
      %gather3A_440 = tpu.vector_load_idx %arg7[%broadcast_in_dim3A_439, %min3A_435] : memref<32x64xi32, #tpu.memory_space<vmem>>[vector<16xi32>, vector<16xi32>], vector<16xi32>,
      %max3A_441 = arith.constant 1 : i32
      %max3A_442 = vector.broadcast %max3A_441 : i32 to vector<16xi32>
      %max3A_443 = arith.maxsi %gather3A_440, %max3A_442 : vector<16xi32>
      %convert_element_type3A_444 = arith.sitofp %max3A_443 : vector<16xi32> to vector<16xf32>
      %lt3A_445 = arith.cmpi slt, %and3A_438, %gather3A_440 : vector<16xi32>
      %div3A_446 = arith.constant 1.000000e+00 : f32
      %div3A_447 = vector.broadcast %div3A_446 : f32 to vector<16xf32>
      %div3A_448 = arith.divf %div3A_447, %convert_element_type3A_444 : vector<16xf32>
      %jit3A_449 = arith.constant 0.000000e+00 : f32
      %broadcast_in_dim3A_450 = vector.broadcast %jit3A_449 : f32 to vector<16xf32>
      %select_n3A_451 = arith.select %lt3A_445, %div3A_448, %broadcast_in_dim3A_450 : vector<16xi1>, vector<16xf32>
      %lt3A_452 = arith.constant 50 : i32
      %lt3A_453 = vector.broadcast %lt3A_452 : i32 to vector<16xi32>
      %lt3A_454 = arith.cmpi slt, %add3A_423, %lt3A_453 : vector<16xi32>
      %lt3A_455 = arith.constant 250 : i32
      %lt3A_456 = vector.broadcast %lt3A_455 : i32 to vector<16xi32>
      %lt3A_457 = arith.cmpi slt, %add3A_423, %lt3A_456 : vector<16xi32>
      %jit3A_458 = arith.constant 0.000000e+00 : f32
      %broadcast_in_dim3A_459 = vector.broadcast %jit3A_458 : f32 to vector<16xf32>
      %select_n3A_460 = arith.select %lt3A_457, %select_n3A_451, %broadcast_in_dim3A_459 : vector<16xi1>, vector<16xf32>
      %jit3A_461 = arith.constant 1.000000e+00 : f32
      %broadcast_in_dim3A_462 = vector.broadcast %jit3A_461 : f32 to vector<16xf32>
      %select_n3A_463 = arith.select %lt3A_454, %broadcast_in_dim3A_462, %select_n3A_460 : vector<16xi1>, vector<16xf32>
      %mul3A_464 = arith.constant 2.000000e-02 : f32
      %mul3A_465 = vector.broadcast %mul3A_464 : f32 to vector<16xf32>
      %mul3A_466 = arith.mulf %select_n3A_463, %mul3A_465 : vector<16xf32>
      %swap3A_467 = arith.index_cast %scan3A_33 : i32 to index
      %swap3A_468 = arith.constant 128 : index
      %swap3A_469 = tpu.vector_load %arg8[%swap3A_467, %swap3A_468] {strides = array<i32>} : memref<32x256xf32, #tpu.memory_space<vmem>>, vector<16xf32>,
      tpu.vector_store %arg8[%swap3A_467, %swap3A_468], %mul3A_466 {strides = array<i32>} : memref<32x256xf32, #tpu.memory_space<vmem>>, vector<16xf32>,
      %iota3A_470 = tpu.iota {dimensions = array<i32: 0>} : vector<16xi32>
      %add3A_471 = arith.constant 144 : i32
      %add3A_472 = vector.broadcast %add3A_471 : i32 to vector<16xi32>
      %add3A_473 = arith.addi %iota3A_470, %add3A_472 : vector<16xi32>
      %sub3A_474 = arith.constant 50 : i32
      %sub3A_475 = vector.broadcast %sub3A_474 : i32 to vector<16xi32>
      %sub3A_476 = arith.subi %add3A_473, %sub3A_475 : vector<16xi32>
      %shift_right_arithmetic3A_477 = arith.constant 2 : i32
      %shift_right_arithmetic3A_478 = vector.broadcast %shift_right_arithmetic3A_477 : i32 to vector<16xi32>
      %shift_right_arithmetic3A_479 = arith.shrsi %sub3A_476, %shift_right_arithmetic3A_478 : vector<16xi32>
      %jit3A_480 = arith.constant 0 : i32
      %jit3A_481 = arith.constant 49 : i32
      %max3A_482 = vector.broadcast %jit3A_480 : i32 to vector<16xi32>
      %max3A_483 = arith.maxsi %max3A_482, %shift_right_arithmetic3A_479 : vector<16xi32>
      %min3A_484 = vector.broadcast %jit3A_481 : i32 to vector<16xi32>
      %min3A_485 = arith.minsi %min3A_484, %max3A_483 : vector<16xi32>
      %and3A_486 = arith.constant 3 : i32
      %and3A_487 = vector.broadcast %and3A_486 : i32 to vector<16xi32>
      %and3A_488 = arith.andi %sub3A_476, %and3A_487 : vector<16xi32>
      %broadcast_in_dim3A_489 = vector.broadcast %scan3A_33 : i32 to vector<16xi32>
      %gather3A_490 = tpu.vector_load_idx %arg7[%broadcast_in_dim3A_489, %min3A_485] : memref<32x64xi32, #tpu.memory_space<vmem>>[vector<16xi32>, vector<16xi32>], vector<16xi32>,
      %max3A_491 = arith.constant 1 : i32
      %max3A_492 = vector.broadcast %max3A_491 : i32 to vector<16xi32>
      %max3A_493 = arith.maxsi %gather3A_490, %max3A_492 : vector<16xi32>
      %convert_element_type3A_494 = arith.sitofp %max3A_493 : vector<16xi32> to vector<16xf32>
      %lt3A_495 = arith.cmpi slt, %and3A_488, %gather3A_490 : vector<16xi32>
      %div3A_496 = arith.constant 1.000000e+00 : f32
      %div3A_497 = vector.broadcast %div3A_496 : f32 to vector<16xf32>
      %div3A_498 = arith.divf %div3A_497, %convert_element_type3A_494 : vector<16xf32>
      %jit3A_499 = arith.constant 0.000000e+00 : f32
      %broadcast_in_dim3A_500 = vector.broadcast %jit3A_499 : f32 to vector<16xf32>
      %select_n3A_501 = arith.select %lt3A_495, %div3A_498, %broadcast_in_dim3A_500 : vector<16xi1>, vector<16xf32>
      %lt3A_502 = arith.constant 50 : i32
      %lt3A_503 = vector.broadcast %lt3A_502 : i32 to vector<16xi32>
      %lt3A_504 = arith.cmpi slt, %add3A_473, %lt3A_503 : vector<16xi32>
      %lt3A_505 = arith.constant 250 : i32
      %lt3A_506 = vector.broadcast %lt3A_505 : i32 to vector<16xi32>
      %lt3A_507 = arith.cmpi slt, %add3A_473, %lt3A_506 : vector<16xi32>
      %jit3A_508 = arith.constant 0.000000e+00 : f32
      %broadcast_in_dim3A_509 = vector.broadcast %jit3A_508 : f32 to vector<16xf32>
      %select_n3A_510 = arith.select %lt3A_507, %select_n3A_501, %broadcast_in_dim3A_509 : vector<16xi1>, vector<16xf32>
      %jit3A_511 = arith.constant 1.000000e+00 : f32
      %broadcast_in_dim3A_512 = vector.broadcast %jit3A_511 : f32 to vector<16xf32>
      %select_n3A_513 = arith.select %lt3A_504, %broadcast_in_dim3A_512, %select_n3A_510 : vector<16xi1>, vector<16xf32>
      %mul3A_514 = arith.constant 2.000000e-02 : f32
      %mul3A_515 = vector.broadcast %mul3A_514 : f32 to vector<16xf32>
      %mul3A_516 = arith.mulf %select_n3A_513, %mul3A_515 : vector<16xf32>
      %swap3A_517 = arith.index_cast %scan3A_33 : i32 to index
      %swap3A_518 = arith.constant 144 : index
      %swap3A_519 = tpu.vector_load %arg8[%swap3A_517, %swap3A_518] {strides = array<i32>} : memref<32x256xf32, #tpu.memory_space<vmem>>, vector<16xf32>,
      tpu.vector_store %arg8[%swap3A_517, %swap3A_518], %mul3A_516 {strides = array<i32>} : memref<32x256xf32, #tpu.memory_space<vmem>>, vector<16xf32>,
      %iota3A_520 = tpu.iota {dimensions = array<i32: 0>} : vector<16xi32>
      %add3A_521 = arith.constant 160 : i32
      %add3A_522 = vector.broadcast %add3A_521 : i32 to vector<16xi32>
      %add3A_523 = arith.addi %iota3A_520, %add3A_522 : vector<16xi32>
      %sub3A_524 = arith.constant 50 : i32
      %sub3A_525 = vector.broadcast %sub3A_524 : i32 to vector<16xi32>
      %sub3A_526 = arith.subi %add3A_523, %sub3A_525 : vector<16xi32>
      %shift_right_arithmetic3A_527 = arith.constant 2 : i32
      %shift_right_arithmetic3A_528 = vector.broadcast %shift_right_arithmetic3A_527 : i32 to vector<16xi32>
      %shift_right_arithmetic3A_529 = arith.shrsi %sub3A_526, %shift_right_arithmetic3A_528 : vector<16xi32>
      %jit3A_530 = arith.constant 0 : i32
      %jit3A_531 = arith.constant 49 : i32
      %max3A_532 = vector.broadcast %jit3A_530 : i32 to vector<16xi32>
      %max3A_533 = arith.maxsi %max3A_532, %shift_right_arithmetic3A_529 : vector<16xi32>
      %min3A_534 = vector.broadcast %jit3A_531 : i32 to vector<16xi32>
      %min3A_535 = arith.minsi %min3A_534, %max3A_533 : vector<16xi32>
      %and3A_536 = arith.constant 3 : i32
      %and3A_537 = vector.broadcast %and3A_536 : i32 to vector<16xi32>
      %and3A_538 = arith.andi %sub3A_526, %and3A_537 : vector<16xi32>
      %broadcast_in_dim3A_539 = vector.broadcast %scan3A_33 : i32 to vector<16xi32>
      %gather3A_540 = tpu.vector_load_idx %arg7[%broadcast_in_dim3A_539, %min3A_535] : memref<32x64xi32, #tpu.memory_space<vmem>>[vector<16xi32>, vector<16xi32>], vector<16xi32>,
      %max3A_541 = arith.constant 1 : i32
      %max3A_542 = vector.broadcast %max3A_541 : i32 to vector<16xi32>
      %max3A_543 = arith.maxsi %gather3A_540, %max3A_542 : vector<16xi32>
      %convert_element_type3A_544 = arith.sitofp %max3A_543 : vector<16xi32> to vector<16xf32>
      %lt3A_545 = arith.cmpi slt, %and3A_538, %gather3A_540 : vector<16xi32>
      %div3A_546 = arith.constant 1.000000e+00 : f32
      %div3A_547 = vector.broadcast %div3A_546 : f32 to vector<16xf32>
      %div3A_548 = arith.divf %div3A_547, %convert_element_type3A_544 : vector<16xf32>
      %jit3A_549 = arith.constant 0.000000e+00 : f32
      %broadcast_in_dim3A_550 = vector.broadcast %jit3A_549 : f32 to vector<16xf32>
      %select_n3A_551 = arith.select %lt3A_545, %div3A_548, %broadcast_in_dim3A_550 : vector<16xi1>, vector<16xf32>
      %lt3A_552 = arith.constant 50 : i32
      %lt3A_553 = vector.broadcast %lt3A_552 : i32 to vector<16xi32>
      %lt3A_554 = arith.cmpi slt, %add3A_523, %lt3A_553 : vector<16xi32>
      %lt3A_555 = arith.constant 250 : i32
      %lt3A_556 = vector.broadcast %lt3A_555 : i32 to vector<16xi32>
      %lt3A_557 = arith.cmpi slt, %add3A_523, %lt3A_556 : vector<16xi32>
      %jit3A_558 = arith.constant 0.000000e+00 : f32
      %broadcast_in_dim3A_559 = vector.broadcast %jit3A_558 : f32 to vector<16xf32>
      %select_n3A_560 = arith.select %lt3A_557, %select_n3A_551, %broadcast_in_dim3A_559 : vector<16xi1>, vector<16xf32>
      %jit3A_561 = arith.constant 1.000000e+00 : f32
      %broadcast_in_dim3A_562 = vector.broadcast %jit3A_561 : f32 to vector<16xf32>
      %select_n3A_563 = arith.select %lt3A_554, %broadcast_in_dim3A_562, %select_n3A_560 : vector<16xi1>, vector<16xf32>
      %mul3A_564 = arith.constant 2.000000e-02 : f32
      %mul3A_565 = vector.broadcast %mul3A_564 : f32 to vector<16xf32>
      %mul3A_566 = arith.mulf %select_n3A_563, %mul3A_565 : vector<16xf32>
      %swap3A_567 = arith.index_cast %scan3A_33 : i32 to index
      %swap3A_568 = arith.constant 160 : index
      %swap3A_569 = tpu.vector_load %arg8[%swap3A_567, %swap3A_568] {strides = array<i32>} : memref<32x256xf32, #tpu.memory_space<vmem>>, vector<16xf32>,
      tpu.vector_store %arg8[%swap3A_567, %swap3A_568], %mul3A_566 {strides = array<i32>} : memref<32x256xf32, #tpu.memory_space<vmem>>, vector<16xf32>,
      %iota3A_570 = tpu.iota {dimensions = array<i32: 0>} : vector<16xi32>
      %add3A_571 = arith.constant 176 : i32
      %add3A_572 = vector.broadcast %add3A_571 : i32 to vector<16xi32>
      %add3A_573 = arith.addi %iota3A_570, %add3A_572 : vector<16xi32>
      %sub3A_574 = arith.constant 50 : i32
      %sub3A_575 = vector.broadcast %sub3A_574 : i32 to vector<16xi32>
      %sub3A_576 = arith.subi %add3A_573, %sub3A_575 : vector<16xi32>
      %shift_right_arithmetic3A_577 = arith.constant 2 : i32
      %shift_right_arithmetic3A_578 = vector.broadcast %shift_right_arithmetic3A_577 : i32 to vector<16xi32>
      %shift_right_arithmetic3A_579 = arith.shrsi %sub3A_576, %shift_right_arithmetic3A_578 : vector<16xi32>
      %jit3A_580 = arith.constant 0 : i32
      %jit3A_581 = arith.constant 49 : i32
      %max3A_582 = vector.broadcast %jit3A_580 : i32 to vector<16xi32>
      %max3A_583 = arith.maxsi %max3A_582, %shift_right_arithmetic3A_579 : vector<16xi32>
      %min3A_584 = vector.broadcast %jit3A_581 : i32 to vector<16xi32>
      %min3A_585 = arith.minsi %min3A_584, %max3A_583 : vector<16xi32>
      %and3A_586 = arith.constant 3 : i32
      %and3A_587 = vector.broadcast %and3A_586 : i32 to vector<16xi32>
      %and3A_588 = arith.andi %sub3A_576, %and3A_587 : vector<16xi32>
      %broadcast_in_dim3A_589 = vector.broadcast %scan3A_33 : i32 to vector<16xi32>
      %gather3A_590 = tpu.vector_load_idx %arg7[%broadcast_in_dim3A_589, %min3A_585] : memref<32x64xi32, #tpu.memory_space<vmem>>[vector<16xi32>, vector<16xi32>], vector<16xi32>,
      %max3A_591 = arith.constant 1 : i32
      %max3A_592 = vector.broadcast %max3A_591 : i32 to vector<16xi32>
      %max3A_593 = arith.maxsi %gather3A_590, %max3A_592 : vector<16xi32>
      %convert_element_type3A_594 = arith.sitofp %max3A_593 : vector<16xi32> to vector<16xf32>
      %lt3A_595 = arith.cmpi slt, %and3A_588, %gather3A_590 : vector<16xi32>
      %div3A_596 = arith.constant 1.000000e+00 : f32
      %div3A_597 = vector.broadcast %div3A_596 : f32 to vector<16xf32>
      %div3A_598 = arith.divf %div3A_597, %convert_element_type3A_594 : vector<16xf32>
      %jit3A_599 = arith.constant 0.000000e+00 : f32
      %broadcast_in_dim3A_600 = vector.broadcast %jit3A_599 : f32 to vector<16xf32>
      %select_n3A_601 = arith.select %lt3A_595, %div3A_598, %broadcast_in_dim3A_600 : vector<16xi1>, vector<16xf32>
      %lt3A_602 = arith.constant 50 : i32
      %lt3A_603 = vector.broadcast %lt3A_602 : i32 to vector<16xi32>
      %lt3A_604 = arith.cmpi slt, %add3A_573, %lt3A_603 : vector<16xi32>
      %lt3A_605 = arith.constant 250 : i32
      %lt3A_606 = vector.broadcast %lt3A_605 : i32 to vector<16xi32>
      %lt3A_607 = arith.cmpi slt, %add3A_573, %lt3A_606 : vector<16xi32>
      %jit3A_608 = arith.constant 0.000000e+00 : f32
      %broadcast_in_dim3A_609 = vector.broadcast %jit3A_608 : f32 to vector<16xf32>
      %select_n3A_610 = arith.select %lt3A_607, %select_n3A_601, %broadcast_in_dim3A_609 : vector<16xi1>, vector<16xf32>
      %jit3A_611 = arith.constant 1.000000e+00 : f32
      %broadcast_in_dim3A_612 = vector.broadcast %jit3A_611 : f32 to vector<16xf32>
      %select_n3A_613 = arith.select %lt3A_604, %broadcast_in_dim3A_612, %select_n3A_610 : vector<16xi1>, vector<16xf32>
      %mul3A_614 = arith.constant 2.000000e-02 : f32
      %mul3A_615 = vector.broadcast %mul3A_614 : f32 to vector<16xf32>
      %mul3A_616 = arith.mulf %select_n3A_613, %mul3A_615 : vector<16xf32>
      %swap3A_617 = arith.index_cast %scan3A_33 : i32 to index
      %swap3A_618 = arith.constant 176 : index
      %swap3A_619 = tpu.vector_load %arg8[%swap3A_617, %swap3A_618] {strides = array<i32>} : memref<32x256xf32, #tpu.memory_space<vmem>>, vector<16xf32>,
      tpu.vector_store %arg8[%swap3A_617, %swap3A_618], %mul3A_616 {strides = array<i32>} : memref<32x256xf32, #tpu.memory_space<vmem>>, vector<16xf32>,
      %iota3A_620 = tpu.iota {dimensions = array<i32: 0>} : vector<16xi32>
      %add3A_621 = arith.constant 192 : i32
      %add3A_622 = vector.broadcast %add3A_621 : i32 to vector<16xi32>
      %add3A_623 = arith.addi %iota3A_620, %add3A_622 : vector<16xi32>
      %sub3A_624 = arith.constant 50 : i32
      %sub3A_625 = vector.broadcast %sub3A_624 : i32 to vector<16xi32>
      %sub3A_626 = arith.subi %add3A_623, %sub3A_625 : vector<16xi32>
      %shift_right_arithmetic3A_627 = arith.constant 2 : i32
      %shift_right_arithmetic3A_628 = vector.broadcast %shift_right_arithmetic3A_627 : i32 to vector<16xi32>
      %shift_right_arithmetic3A_629 = arith.shrsi %sub3A_626, %shift_right_arithmetic3A_628 : vector<16xi32>
      %jit3A_630 = arith.constant 0 : i32
      %jit3A_631 = arith.constant 49 : i32
      %max3A_632 = vector.broadcast %jit3A_630 : i32 to vector<16xi32>
      %max3A_633 = arith.maxsi %max3A_632, %shift_right_arithmetic3A_629 : vector<16xi32>
      %min3A_634 = vector.broadcast %jit3A_631 : i32 to vector<16xi32>
      %min3A_635 = arith.minsi %min3A_634, %max3A_633 : vector<16xi32>
      %and3A_636 = arith.constant 3 : i32
      %and3A_637 = vector.broadcast %and3A_636 : i32 to vector<16xi32>
      %and3A_638 = arith.andi %sub3A_626, %and3A_637 : vector<16xi32>
      %broadcast_in_dim3A_639 = vector.broadcast %scan3A_33 : i32 to vector<16xi32>
      %gather3A_640 = tpu.vector_load_idx %arg7[%broadcast_in_dim3A_639, %min3A_635] : memref<32x64xi32, #tpu.memory_space<vmem>>[vector<16xi32>, vector<16xi32>], vector<16xi32>,
      %max3A_641 = arith.constant 1 : i32
      %max3A_642 = vector.broadcast %max3A_641 : i32 to vector<16xi32>
      %max3A_643 = arith.maxsi %gather3A_640, %max3A_642 : vector<16xi32>
      %convert_element_type3A_644 = arith.sitofp %max3A_643 : vector<16xi32> to vector<16xf32>
      %lt3A_645 = arith.cmpi slt, %and3A_638, %gather3A_640 : vector<16xi32>
      %div3A_646 = arith.constant 1.000000e+00 : f32
      %div3A_647 = vector.broadcast %div3A_646 : f32 to vector<16xf32>
      %div3A_648 = arith.divf %div3A_647, %convert_element_type3A_644 : vector<16xf32>
      %jit3A_649 = arith.constant 0.000000e+00 : f32
      %broadcast_in_dim3A_650 = vector.broadcast %jit3A_649 : f32 to vector<16xf32>
      %select_n3A_651 = arith.select %lt3A_645, %div3A_648, %broadcast_in_dim3A_650 : vector<16xi1>, vector<16xf32>
      %lt3A_652 = arith.constant 50 : i32
      %lt3A_653 = vector.broadcast %lt3A_652 : i32 to vector<16xi32>
      %lt3A_654 = arith.cmpi slt, %add3A_623, %lt3A_653 : vector<16xi32>
      %lt3A_655 = arith.constant 250 : i32
      %lt3A_656 = vector.broadcast %lt3A_655 : i32 to vector<16xi32>
      %lt3A_657 = arith.cmpi slt, %add3A_623, %lt3A_656 : vector<16xi32>
      %jit3A_658 = arith.constant 0.000000e+00 : f32
      %broadcast_in_dim3A_659 = vector.broadcast %jit3A_658 : f32 to vector<16xf32>
      %select_n3A_660 = arith.select %lt3A_657, %select_n3A_651, %broadcast_in_dim3A_659 : vector<16xi1>, vector<16xf32>
      %jit3A_661 = arith.constant 1.000000e+00 : f32
      %broadcast_in_dim3A_662 = vector.broadcast %jit3A_661 : f32 to vector<16xf32>
      %select_n3A_663 = arith.select %lt3A_654, %broadcast_in_dim3A_662, %select_n3A_660 : vector<16xi1>, vector<16xf32>
      %mul3A_664 = arith.constant 2.000000e-02 : f32
      %mul3A_665 = vector.broadcast %mul3A_664 : f32 to vector<16xf32>
      %mul3A_666 = arith.mulf %select_n3A_663, %mul3A_665 : vector<16xf32>
      %swap3A_667 = arith.index_cast %scan3A_33 : i32 to index
      %swap3A_668 = arith.constant 192 : index
      %swap3A_669 = tpu.vector_load %arg8[%swap3A_667, %swap3A_668] {strides = array<i32>} : memref<32x256xf32, #tpu.memory_space<vmem>>, vector<16xf32>,
      tpu.vector_store %arg8[%swap3A_667, %swap3A_668], %mul3A_666 {strides = array<i32>} : memref<32x256xf32, #tpu.memory_space<vmem>>, vector<16xf32>,
      %iota3A_670 = tpu.iota {dimensions = array<i32: 0>} : vector<16xi32>
      %add3A_671 = arith.constant 208 : i32
      %add3A_672 = vector.broadcast %add3A_671 : i32 to vector<16xi32>
      %add3A_673 = arith.addi %iota3A_670, %add3A_672 : vector<16xi32>
      %sub3A_674 = arith.constant 50 : i32
      %sub3A_675 = vector.broadcast %sub3A_674 : i32 to vector<16xi32>
      %sub3A_676 = arith.subi %add3A_673, %sub3A_675 : vector<16xi32>
      %shift_right_arithmetic3A_677 = arith.constant 2 : i32
      %shift_right_arithmetic3A_678 = vector.broadcast %shift_right_arithmetic3A_677 : i32 to vector<16xi32>
      %shift_right_arithmetic3A_679 = arith.shrsi %sub3A_676, %shift_right_arithmetic3A_678 : vector<16xi32>
      %jit3A_680 = arith.constant 0 : i32
      %jit3A_681 = arith.constant 49 : i32
      %max3A_682 = vector.broadcast %jit3A_680 : i32 to vector<16xi32>
      %max3A_683 = arith.maxsi %max3A_682, %shift_right_arithmetic3A_679 : vector<16xi32>
      %min3A_684 = vector.broadcast %jit3A_681 : i32 to vector<16xi32>
      %min3A_685 = arith.minsi %min3A_684, %max3A_683 : vector<16xi32>
      %and3A_686 = arith.constant 3 : i32
      %and3A_687 = vector.broadcast %and3A_686 : i32 to vector<16xi32>
      %and3A_688 = arith.andi %sub3A_676, %and3A_687 : vector<16xi32>
      %broadcast_in_dim3A_689 = vector.broadcast %scan3A_33 : i32 to vector<16xi32>
      %gather3A_690 = tpu.vector_load_idx %arg7[%broadcast_in_dim3A_689, %min3A_685] : memref<32x64xi32, #tpu.memory_space<vmem>>[vector<16xi32>, vector<16xi32>], vector<16xi32>,
      %max3A_691 = arith.constant 1 : i32
      %max3A_692 = vector.broadcast %max3A_691 : i32 to vector<16xi32>
      %max3A_693 = arith.maxsi %gather3A_690, %max3A_692 : vector<16xi32>
      %convert_element_type3A_694 = arith.sitofp %max3A_693 : vector<16xi32> to vector<16xf32>
      %lt3A_695 = arith.cmpi slt, %and3A_688, %gather3A_690 : vector<16xi32>
      %div3A_696 = arith.constant 1.000000e+00 : f32
      %div3A_697 = vector.broadcast %div3A_696 : f32 to vector<16xf32>
      %div3A_698 = arith.divf %div3A_697, %convert_element_type3A_694 : vector<16xf32>
      %jit3A_699 = arith.constant 0.000000e+00 : f32
      %broadcast_in_dim3A_700 = vector.broadcast %jit3A_699 : f32 to vector<16xf32>
      %select_n3A_701 = arith.select %lt3A_695, %div3A_698, %broadcast_in_dim3A_700 : vector<16xi1>, vector<16xf32>
      %lt3A_702 = arith.constant 50 : i32
      %lt3A_703 = vector.broadcast %lt3A_702 : i32 to vector<16xi32>
      %lt3A_704 = arith.cmpi slt, %add3A_673, %lt3A_703 : vector<16xi32>
      %lt3A_705 = arith.constant 250 : i32
      %lt3A_706 = vector.broadcast %lt3A_705 : i32 to vector<16xi32>
      %lt3A_707 = arith.cmpi slt, %add3A_673, %lt3A_706 : vector<16xi32>
      %jit3A_708 = arith.constant 0.000000e+00 : f32
      %broadcast_in_dim3A_709 = vector.broadcast %jit3A_708 : f32 to vector<16xf32>
      %select_n3A_710 = arith.select %lt3A_707, %select_n3A_701, %broadcast_in_dim3A_709 : vector<16xi1>, vector<16xf32>
      %jit3A_711 = arith.constant 1.000000e+00 : f32
      %broadcast_in_dim3A_712 = vector.broadcast %jit3A_711 : f32 to vector<16xf32>
      %select_n3A_713 = arith.select %lt3A_704, %broadcast_in_dim3A_712, %select_n3A_710 : vector<16xi1>, vector<16xf32>
      %mul3A_714 = arith.constant 2.000000e-02 : f32
      %mul3A_715 = vector.broadcast %mul3A_714 : f32 to vector<16xf32>
      %mul3A_716 = arith.mulf %select_n3A_713, %mul3A_715 : vector<16xf32>
      %swap3A_717 = arith.index_cast %scan3A_33 : i32 to index
      %swap3A_718 = arith.constant 208 : index
      %swap3A_719 = tpu.vector_load %arg8[%swap3A_717, %swap3A_718] {strides = array<i32>} : memref<32x256xf32, #tpu.memory_space<vmem>>, vector<16xf32>,
      tpu.vector_store %arg8[%swap3A_717, %swap3A_718], %mul3A_716 {strides = array<i32>} : memref<32x256xf32, #tpu.memory_space<vmem>>, vector<16xf32>,
      %iota3A_720 = tpu.iota {dimensions = array<i32: 0>} : vector<16xi32>
      %add3A_721 = arith.constant 224 : i32
      %add3A_722 = vector.broadcast %add3A_721 : i32 to vector<16xi32>
      %add3A_723 = arith.addi %iota3A_720, %add3A_722 : vector<16xi32>
      %sub3A_724 = arith.constant 50 : i32
      %sub3A_725 = vector.broadcast %sub3A_724 : i32 to vector<16xi32>
      %sub3A_726 = arith.subi %add3A_723, %sub3A_725 : vector<16xi32>
      %shift_right_arithmetic3A_727 = arith.constant 2 : i32
      %shift_right_arithmetic3A_728 = vector.broadcast %shift_right_arithmetic3A_727 : i32 to vector<16xi32>
      %shift_right_arithmetic3A_729 = arith.shrsi %sub3A_726, %shift_right_arithmetic3A_728 : vector<16xi32>
      %jit3A_730 = arith.constant 0 : i32
      %jit3A_731 = arith.constant 49 : i32
      %max3A_732 = vector.broadcast %jit3A_730 : i32 to vector<16xi32>
      %max3A_733 = arith.maxsi %max3A_732, %shift_right_arithmetic3A_729 : vector<16xi32>
      %min3A_734 = vector.broadcast %jit3A_731 : i32 to vector<16xi32>
      %min3A_735 = arith.minsi %min3A_734, %max3A_733 : vector<16xi32>
      %and3A_736 = arith.constant 3 : i32
      %and3A_737 = vector.broadcast %and3A_736 : i32 to vector<16xi32>
      %and3A_738 = arith.andi %sub3A_726, %and3A_737 : vector<16xi32>
      %broadcast_in_dim3A_739 = vector.broadcast %scan3A_33 : i32 to vector<16xi32>
      %gather3A_740 = tpu.vector_load_idx %arg7[%broadcast_in_dim3A_739, %min3A_735] : memref<32x64xi32, #tpu.memory_space<vmem>>[vector<16xi32>, vector<16xi32>], vector<16xi32>,
      %max3A_741 = arith.constant 1 : i32
      %max3A_742 = vector.broadcast %max3A_741 : i32 to vector<16xi32>
      %max3A_743 = arith.maxsi %gather3A_740, %max3A_742 : vector<16xi32>
      %convert_element_type3A_744 = arith.sitofp %max3A_743 : vector<16xi32> to vector<16xf32>
      %lt3A_745 = arith.cmpi slt, %and3A_738, %gather3A_740 : vector<16xi32>
      %div3A_746 = arith.constant 1.000000e+00 : f32
      %div3A_747 = vector.broadcast %div3A_746 : f32 to vector<16xf32>
      %div3A_748 = arith.divf %div3A_747, %convert_element_type3A_744 : vector<16xf32>
      %jit3A_749 = arith.constant 0.000000e+00 : f32
      %broadcast_in_dim3A_750 = vector.broadcast %jit3A_749 : f32 to vector<16xf32>
      %select_n3A_751 = arith.select %lt3A_745, %div3A_748, %broadcast_in_dim3A_750 : vector<16xi1>, vector<16xf32>
      %lt3A_752 = arith.constant 50 : i32
      %lt3A_753 = vector.broadcast %lt3A_752 : i32 to vector<16xi32>
      %lt3A_754 = arith.cmpi slt, %add3A_723, %lt3A_753 : vector<16xi32>
      %lt3A_755 = arith.constant 250 : i32
      %lt3A_756 = vector.broadcast %lt3A_755 : i32 to vector<16xi32>
      %lt3A_757 = arith.cmpi slt, %add3A_723, %lt3A_756 : vector<16xi32>
      %jit3A_758 = arith.constant 0.000000e+00 : f32
      %broadcast_in_dim3A_759 = vector.broadcast %jit3A_758 : f32 to vector<16xf32>
      %select_n3A_760 = arith.select %lt3A_757, %select_n3A_751, %broadcast_in_dim3A_759 : vector<16xi1>, vector<16xf32>
      %jit3A_761 = arith.constant 1.000000e+00 : f32
      %broadcast_in_dim3A_762 = vector.broadcast %jit3A_761 : f32 to vector<16xf32>
      %select_n3A_763 = arith.select %lt3A_754, %broadcast_in_dim3A_762, %select_n3A_760 : vector<16xi1>, vector<16xf32>
      %mul3A_764 = arith.constant 2.000000e-02 : f32
      %mul3A_765 = vector.broadcast %mul3A_764 : f32 to vector<16xf32>
      %mul3A_766 = arith.mulf %select_n3A_763, %mul3A_765 : vector<16xf32>
      %swap3A_767 = arith.index_cast %scan3A_33 : i32 to index
      %swap3A_768 = arith.constant 224 : index
      %swap3A_769 = tpu.vector_load %arg8[%swap3A_767, %swap3A_768] {strides = array<i32>} : memref<32x256xf32, #tpu.memory_space<vmem>>, vector<16xf32>,
      tpu.vector_store %arg8[%swap3A_767, %swap3A_768], %mul3A_766 {strides = array<i32>} : memref<32x256xf32, #tpu.memory_space<vmem>>, vector<16xf32>,
      %iota3A_770 = tpu.iota {dimensions = array<i32: 0>} : vector<16xi32>
      %add3A_771 = arith.constant 240 : i32
      %add3A_772 = vector.broadcast %add3A_771 : i32 to vector<16xi32>
      %add3A_773 = arith.addi %iota3A_770, %add3A_772 : vector<16xi32>
      %sub3A_774 = arith.constant 50 : i32
      %sub3A_775 = vector.broadcast %sub3A_774 : i32 to vector<16xi32>
      %sub3A_776 = arith.subi %add3A_773, %sub3A_775 : vector<16xi32>
      %shift_right_arithmetic3A_777 = arith.constant 2 : i32
      %shift_right_arithmetic3A_778 = vector.broadcast %shift_right_arithmetic3A_777 : i32 to vector<16xi32>
      %shift_right_arithmetic3A_779 = arith.shrsi %sub3A_776, %shift_right_arithmetic3A_778 : vector<16xi32>
      %jit3A_780 = arith.constant 0 : i32
      %jit3A_781 = arith.constant 49 : i32
      %max3A_782 = vector.broadcast %jit3A_780 : i32 to vector<16xi32>
      %max3A_783 = arith.maxsi %max3A_782, %shift_right_arithmetic3A_779 : vector<16xi32>
      %min3A_784 = vector.broadcast %jit3A_781 : i32 to vector<16xi32>
      %min3A_785 = arith.minsi %min3A_784, %max3A_783 : vector<16xi32>
      %and3A_786 = arith.constant 3 : i32
      %and3A_787 = vector.broadcast %and3A_786 : i32 to vector<16xi32>
      %and3A_788 = arith.andi %sub3A_776, %and3A_787 : vector<16xi32>
      %broadcast_in_dim3A_789 = vector.broadcast %scan3A_33 : i32 to vector<16xi32>
      %gather3A_790 = tpu.vector_load_idx %arg7[%broadcast_in_dim3A_789, %min3A_785] : memref<32x64xi32, #tpu.memory_space<vmem>>[vector<16xi32>, vector<16xi32>], vector<16xi32>,
      %max3A_791 = arith.constant 1 : i32
      %max3A_792 = vector.broadcast %max3A_791 : i32 to vector<16xi32>
      %max3A_793 = arith.maxsi %gather3A_790, %max3A_792 : vector<16xi32>
      %convert_element_type3A_794 = arith.sitofp %max3A_793 : vector<16xi32> to vector<16xf32>
      %lt3A_795 = arith.cmpi slt, %and3A_788, %gather3A_790 : vector<16xi32>
      %div3A_796 = arith.constant 1.000000e+00 : f32
      %div3A_797 = vector.broadcast %div3A_796 : f32 to vector<16xf32>
      %div3A_798 = arith.divf %div3A_797, %convert_element_type3A_794 : vector<16xf32>
      %jit3A_799 = arith.constant 0.000000e+00 : f32
      %broadcast_in_dim3A_800 = vector.broadcast %jit3A_799 : f32 to vector<16xf32>
      %select_n3A_801 = arith.select %lt3A_795, %div3A_798, %broadcast_in_dim3A_800 : vector<16xi1>, vector<16xf32>
      %lt3A_802 = arith.constant 50 : i32
      %lt3A_803 = vector.broadcast %lt3A_802 : i32 to vector<16xi32>
      %lt3A_804 = arith.cmpi slt, %add3A_773, %lt3A_803 : vector<16xi32>
      %lt3A_805 = arith.constant 250 : i32
      %lt3A_806 = vector.broadcast %lt3A_805 : i32 to vector<16xi32>
      %lt3A_807 = arith.cmpi slt, %add3A_773, %lt3A_806 : vector<16xi32>
      %jit3A_808 = arith.constant 0.000000e+00 : f32
      %broadcast_in_dim3A_809 = vector.broadcast %jit3A_808 : f32 to vector<16xf32>
      %select_n3A_810 = arith.select %lt3A_807, %select_n3A_801, %broadcast_in_dim3A_809 : vector<16xi1>, vector<16xf32>
      %jit3A_811 = arith.constant 1.000000e+00 : f32
      %broadcast_in_dim3A_812 = vector.broadcast %jit3A_811 : f32 to vector<16xf32>
      %select_n3A_813 = arith.select %lt3A_804, %broadcast_in_dim3A_812, %select_n3A_810 : vector<16xi1>, vector<16xf32>
      %mul3A_814 = arith.constant 2.000000e-02 : f32
      %mul3A_815 = vector.broadcast %mul3A_814 : f32 to vector<16xf32>
      %mul3A_816 = arith.mulf %select_n3A_813, %mul3A_815 : vector<16xf32>
      %swap3A_817 = arith.index_cast %scan3A_33 : i32 to index
      %swap3A_818 = arith.constant 240 : index
      %swap3A_819 = tpu.vector_load %arg8[%swap3A_817, %swap3A_818] {strides = array<i32>} : memref<32x256xf32, #tpu.memory_space<vmem>>, vector<16xf32>,
      tpu.vector_store %arg8[%swap3A_817, %swap3A_818], %mul3A_816 {strides = array<i32>} : memref<32x256xf32, #tpu.memory_space<vmem>>, vector<16xf32>,
    }
    %scan3A_27 = arith.constant 32 : i32
    %scan3A_28 = arith.constant 0 : i32
    %scan3A_29 = arith.constant 16 : i32
    %scan3A_30 = arith.addi %scan3A_28, %scan3A_29 : i32
    %scan3A_31 = arith.constant 1 : i32
    scf.for %scan3A_33 = %scan3A_28 to %scan3A_30 step %scan3A_31  : i32 {
      %mul3A_34 = arith.constant 2 : i32
      %mul3A_35 = arith.muli %mul3A_34, %scan3A_33 : i32
      %dma_wait3A = arith.constant 0 : i32
      %dma_wait3A_36 = arith.constant 0 : i32
      %dma_wait3A_37 = arith.constant 0 : i32
      %dma_wait3A_38 = arith.constant 0 : i32
      %dma_wait3A_39 = tpu.memref_slice %arg9[%dma_wait3A_37, %dma_wait3A_38] : memref<256x128xf32, #tpu.memory_space<vmem>> -> memref<128x128xf32, #tpu.memory_space<vmem>>
      %dma_wait3A_40 = arith.constant 0 : i32
      %dma_wait3A_41 = tpu.memref_slice %arg6[%dma_wait3A, %dma_wait3A_36, %dma_wait3A_40] : memref<32x2x128xi32, #tpu.memory_space<vmem>> -> memref<1x1x128xi32, #tpu.memory_space<vmem>>
      %dma_wait3A_42 = tpu.memref_squeeze %dma_wait3A_41 : memref<1x1x128xi32, #tpu.memory_space<vmem>> -> memref<128xi32, #tpu.memory_space<vmem>>
      %dma_wait3A_43 = arith.constant 0 : i32
      %dma_wait3A_44 = arith.constant 0 : i32
      %dma_wait3A_45 = tpu.memref_slice %arg4[%dma_wait3A_43, %dma_wait3A_44] : memref<100000x128xf32, #tpu.memory_space<hbm>> -> memref<100000x128xf32, #tpu.memory_space<hbm>>
      tpu.wait_indirect_dma semaphore(%arg12 : memref<!tpu.dma_semaphore, #tpu.memory_space<semaphore_mem>>) src(%dma_wait3A_45 : memref<100000x128xf32, #tpu.memory_space<hbm>>) dst(%dma_wait3A_39 : memref<128x128xf32, #tpu.memory_space<vmem>>)
      %dma_wait3A_46 = arith.constant 0 : i32
      %dma_wait3A_47 = arith.constant 1 : i32
      %dma_wait3A_48 = arith.constant 128 : i32
      %dma_wait3A_49 = arith.constant 0 : i32
      %dma_wait3A_50 = tpu.memref_slice %arg9[%dma_wait3A_48, %dma_wait3A_49] : memref<256x128xf32, #tpu.memory_space<vmem>> -> memref<128x128xf32, #tpu.memory_space<vmem>>
      %dma_wait3A_51 = arith.constant 0 : i32
      %dma_wait3A_52 = tpu.memref_slice %arg6[%dma_wait3A_46, %dma_wait3A_47, %dma_wait3A_51] : memref<32x2x128xi32, #tpu.memory_space<vmem>> -> memref<1x1x128xi32, #tpu.memory_space<vmem>>
      %dma_wait3A_53 = tpu.memref_squeeze %dma_wait3A_52 : memref<1x1x128xi32, #tpu.memory_space<vmem>> -> memref<128xi32, #tpu.memory_space<vmem>>
      %dma_wait3A_54 = arith.constant 0 : i32
      %dma_wait3A_55 = arith.constant 0 : i32
      %dma_wait3A_56 = tpu.memref_slice %arg4[%dma_wait3A_54, %dma_wait3A_55] : memref<100000x128xf32, #tpu.memory_space<hbm>> -> memref<100000x128xf32, #tpu.memory_space<hbm>>
      tpu.wait_indirect_dma semaphore(%arg12 : memref<!tpu.dma_semaphore, #tpu.memory_space<semaphore_mem>>) src(%dma_wait3A_56 : memref<100000x128xf32, #tpu.memory_space<hbm>>) dst(%dma_wait3A_50 : memref<128x128xf32, #tpu.memory_space<vmem>>)
      %add3A_57 = arith.constant 1 : i32
      %add3A_58 = arith.addi %mul3A_35, %add3A_57 : i32
      %dma_start3A_59 = arith.constant 0 : i32
      %dma_start3A_60 = arith.constant 0 : i32
      %dma_start3A_61 = arith.constant 0 : i32
      %dma_start3A_62 = tpu.memref_slice %arg10[%dma_start3A_60, %dma_start3A_61] : memref<256x128xf32, #tpu.memory_space<vmem>> -> memref<128x128xf32, #tpu.memory_space<vmem>>
      %dma_start3A_63 = arith.constant 0 : i32
      %dma_start3A_64 = tpu.memref_slice %arg6[%add3A_58, %dma_start3A_59, %dma_start3A_63] : memref<32x2x128xi32, #tpu.memory_space<vmem>> -> memref<1x1x128xi32, #tpu.memory_space<vmem>>
      %dma_start3A_65 = tpu.memref_squeeze %dma_start3A_64 : memref<1x1x128xi32, #tpu.memory_space<vmem>> -> memref<128xi32, #tpu.memory_space<vmem>>
      %dma_start3A_66 = arith.constant 0 : i32
      %dma_start3A_67 = arith.constant 0 : i32
      %dma_start3A_68 = tpu.memref_slice %arg4[%dma_start3A_66, %dma_start3A_67] : memref<100000x128xf32, #tpu.memory_space<hbm>> -> memref<100000x128xf32, #tpu.memory_space<hbm>>
      tpu.enqueue_indirect_dma source(%dma_start3A_68 : memref<100000x128xf32, #tpu.memory_space<hbm>>) target(%dma_start3A_62 : memref<128x128xf32, #tpu.memory_space<vmem>>) offsets(%dma_start3A_65 : memref<128xi32, #tpu.memory_space<vmem>>) semaphore(%arg13 : memref<!tpu.dma_semaphore, #tpu.memory_space<semaphore_mem>>)
      %dma_start3A_69 = arith.constant 1 : i32
      %dma_start3A_70 = arith.constant 128 : i32
      %dma_start3A_71 = arith.constant 0 : i32
      %dma_start3A_72 = tpu.memref_slice %arg10[%dma_start3A_70, %dma_start3A_71] : memref<256x128xf32, #tpu.memory_space<vmem>> -> memref<128x128xf32, #tpu.memory_space<vmem>>
      %dma_start3A_73 = arith.constant 0 : i32
      %dma_start3A_74 = tpu.memref_slice %arg6[%add3A_58, %dma_start3A_69, %dma_start3A_73] : memref<32x2x128xi32, #tpu.memory_space<vmem>> -> memref<1x1x128xi32, #tpu.memory_space<vmem>>
      %dma_start3A_75 = tpu.memref_squeeze %dma_start3A_74 : memref<1x1x128xi32, #tpu.memory_space<vmem>> -> memref<128xi32, #tpu.memory_space<vmem>>
      %dma_start3A_76 = arith.constant 0 : i32
      %dma_start3A_77 = arith.constant 0 : i32
      %dma_start3A_78 = tpu.memref_slice %arg4[%dma_start3A_76, %dma_start3A_77] : memref<100000x128xf32, #tpu.memory_space<hbm>> -> memref<100000x128xf32, #tpu.memory_space<hbm>>
      tpu.enqueue_indirect_dma source(%dma_start3A_78 : memref<100000x128xf32, #tpu.memory_space<hbm>>) target(%dma_start3A_72 : memref<128x128xf32, #tpu.memory_space<vmem>>) offsets(%dma_start3A_75 : memref<128xi32, #tpu.memory_space<vmem>>) semaphore(%arg13 : memref<!tpu.dma_semaphore, #tpu.memory_space<semaphore_mem>>)
      %broadcast_in_dim3A = arith.constant 0.000000e+00 : f32
      %broadcast_in_dim3A_79 = vector.broadcast %broadcast_in_dim3A : f32 to vector<16xf32>
      %parallel_loop3A = arith.constant 0 : i32
      %parallel_loop3A_80 = arith.constant 256 : i32
      %parallel_loop3A_81 = arith.constant 1 : i32
      %parallel_loop3A_82:8 = scf.for %parallel_loop3A_164 = %parallel_loop3A to %parallel_loop3A_80 step %parallel_loop3A_81 iter_args(%parallel_loop3A_165 = %broadcast_in_dim3A_79, %parallel_loop3A_166 = %broadcast_in_dim3A_79, %parallel_loop3A_167 = %broadcast_in_dim3A_79, %parallel_loop3A_168 = %broadcast_in_dim3A_79, %parallel_loop3A_169 = %broadcast_in_dim3A_79, %parallel_loop3A_170 = %broadcast_in_dim3A_79, %parallel_loop3A_171 = %broadcast_in_dim3A_79, %parallel_loop3A_172 = %broadcast_in_dim3A_79) -> (vector<16xf32>, vector<16xf32>, vector<16xf32>, vector<16xf32>, vector<16xf32>, vector<16xf32>, vector<16xf32>, vector<16xf32>)  : i32 {
        %parallel_loop3A_173 = vector.broadcast %mul3A_35 : i32 to vector<16xi32>
        %parallel_loop3A_174 = vector.broadcast %parallel_loop3A_164 : i32 to vector<16xi32>
        %parallel_loop3A_175 = tpu.vector_load_idx %arg8[%parallel_loop3A_173, %parallel_loop3A_174] : memref<32x256xf32, #tpu.memory_space<vmem>>[vector<16xi32>, vector<16xi32>], vector<16xf32>,
        %parallel_loop3A_176 = arith.index_cast %parallel_loop3A_164 : i32 to index
        %parallel_loop3A_177 = arith.constant 0 : index
        %parallel_loop3A_178 = tpu.vector_load %arg9[%parallel_loop3A_176, %parallel_loop3A_177] {strides = array<i32>} : memref<256x128xf32, #tpu.memory_space<vmem>>, vector<16xf32>,
        %parallel_loop3A_179 = arith.mulf %parallel_loop3A_175, %parallel_loop3A_178 : vector<16xf32>
        %parallel_loop3A_180 = arith.addf %parallel_loop3A_165, %parallel_loop3A_179 : vector<16xf32>
        %parallel_loop3A_181 = arith.index_cast %parallel_loop3A_164 : i32 to index
        %parallel_loop3A_182 = arith.constant 16 : index
        %parallel_loop3A_183 = tpu.vector_load %arg9[%parallel_loop3A_181, %parallel_loop3A_182] {strides = array<i32>} : memref<256x128xf32, #tpu.memory_space<vmem>>, vector<16xf32>,
        %parallel_loop3A_184 = arith.mulf %parallel_loop3A_175, %parallel_loop3A_183 : vector<16xf32>
        %parallel_loop3A_185 = arith.addf %parallel_loop3A_166, %parallel_loop3A_184 : vector<16xf32>
        %parallel_loop3A_186 = arith.index_cast %parallel_loop3A_164 : i32 to index
        %parallel_loop3A_187 = arith.constant 32 : index
        %parallel_loop3A_188 = tpu.vector_load %arg9[%parallel_loop3A_186, %parallel_loop3A_187] {strides = array<i32>} : memref<256x128xf32, #tpu.memory_space<vmem>>, vector<16xf32>,
        %parallel_loop3A_189 = arith.mulf %parallel_loop3A_175, %parallel_loop3A_188 : vector<16xf32>
        %parallel_loop3A_190 = arith.addf %parallel_loop3A_167, %parallel_loop3A_189 : vector<16xf32>
        %parallel_loop3A_191 = arith.index_cast %parallel_loop3A_164 : i32 to index
        %parallel_loop3A_192 = arith.constant 48 : index
        %parallel_loop3A_193 = tpu.vector_load %arg9[%parallel_loop3A_191, %parallel_loop3A_192] {strides = array<i32>} : memref<256x128xf32, #tpu.memory_space<vmem>>, vector<16xf32>,
        %parallel_loop3A_194 = arith.mulf %parallel_loop3A_175, %parallel_loop3A_193 : vector<16xf32>
        %parallel_loop3A_195 = arith.addf %parallel_loop3A_168, %parallel_loop3A_194 : vector<16xf32>
        %parallel_loop3A_196 = arith.index_cast %parallel_loop3A_164 : i32 to index
        %parallel_loop3A_197 = arith.constant 64 : index
        %parallel_loop3A_198 = tpu.vector_load %arg9[%parallel_loop3A_196, %parallel_loop3A_197] {strides = array<i32>} : memref<256x128xf32, #tpu.memory_space<vmem>>, vector<16xf32>,
        %parallel_loop3A_199 = arith.mulf %parallel_loop3A_175, %parallel_loop3A_198 : vector<16xf32>
        %parallel_loop3A_200 = arith.addf %parallel_loop3A_169, %parallel_loop3A_199 : vector<16xf32>
        %parallel_loop3A_201 = arith.index_cast %parallel_loop3A_164 : i32 to index
        %parallel_loop3A_202 = arith.constant 80 : index
        %parallel_loop3A_203 = tpu.vector_load %arg9[%parallel_loop3A_201, %parallel_loop3A_202] {strides = array<i32>} : memref<256x128xf32, #tpu.memory_space<vmem>>, vector<16xf32>,
        %parallel_loop3A_204 = arith.mulf %parallel_loop3A_175, %parallel_loop3A_203 : vector<16xf32>
        %parallel_loop3A_205 = arith.addf %parallel_loop3A_170, %parallel_loop3A_204 : vector<16xf32>
        %parallel_loop3A_206 = arith.index_cast %parallel_loop3A_164 : i32 to index
        %parallel_loop3A_207 = arith.constant 96 : index
        %parallel_loop3A_208 = tpu.vector_load %arg9[%parallel_loop3A_206, %parallel_loop3A_207] {strides = array<i32>} : memref<256x128xf32, #tpu.memory_space<vmem>>, vector<16xf32>,
        %parallel_loop3A_209 = arith.mulf %parallel_loop3A_175, %parallel_loop3A_208 : vector<16xf32>
        %parallel_loop3A_210 = arith.addf %parallel_loop3A_171, %parallel_loop3A_209 : vector<16xf32>
        %parallel_loop3A_211 = arith.index_cast %parallel_loop3A_164 : i32 to index
        %parallel_loop3A_212 = arith.constant 112 : index
        %parallel_loop3A_213 = tpu.vector_load %arg9[%parallel_loop3A_211, %parallel_loop3A_212] {strides = array<i32>} : memref<256x128xf32, #tpu.memory_space<vmem>>, vector<16xf32>,
        %parallel_loop3A_214 = arith.mulf %parallel_loop3A_175, %parallel_loop3A_213 : vector<16xf32>
        %parallel_loop3A_215 = arith.addf %parallel_loop3A_172, %parallel_loop3A_214 : vector<16xf32>
        scf.yield %parallel_loop3A_180, %parallel_loop3A_185, %parallel_loop3A_190, %parallel_loop3A_195, %parallel_loop3A_200, %parallel_loop3A_205, %parallel_loop3A_210, %parallel_loop3A_215 : vector<16xf32>, vector<16xf32>, vector<16xf32>, vector<16xf32>, vector<16xf32>, vector<16xf32>, vector<16xf32>, vector<16xf32>
      } {sc.loop_unroll_factor = 8 : i64, sc.parallel_access}
      %swap3A = arith.index_cast %mul3A_35 : i32 to index
      %swap3A_83 = arith.constant 0 : index
      %swap3A_84 = tpu.vector_load %arg11[%swap3A, %swap3A_83] {strides = array<i32>} : memref<32x128xf32, #tpu.memory_space<vmem>>, vector<16xf32>,
      tpu.vector_store %arg11[%swap3A, %swap3A_83], %parallel_loop3A_82#0 {strides = array<i32>} : memref<32x128xf32, #tpu.memory_space<vmem>>, vector<16xf32>,
      %swap3A_85 = arith.index_cast %mul3A_35 : i32 to index
      %swap3A_86 = arith.constant 16 : index
      %swap3A_87 = tpu.vector_load %arg11[%swap3A_85, %swap3A_86] {strides = array<i32>} : memref<32x128xf32, #tpu.memory_space<vmem>>, vector<16xf32>,
      tpu.vector_store %arg11[%swap3A_85, %swap3A_86], %parallel_loop3A_82#1 {strides = array<i32>} : memref<32x128xf32, #tpu.memory_space<vmem>>, vector<16xf32>,
      %swap3A_88 = arith.index_cast %mul3A_35 : i32 to index
      %swap3A_89 = arith.constant 32 : index
      %swap3A_90 = tpu.vector_load %arg11[%swap3A_88, %swap3A_89] {strides = array<i32>} : memref<32x128xf32, #tpu.memory_space<vmem>>, vector<16xf32>,
      tpu.vector_store %arg11[%swap3A_88, %swap3A_89], %parallel_loop3A_82#2 {strides = array<i32>} : memref<32x128xf32, #tpu.memory_space<vmem>>, vector<16xf32>,
      %swap3A_91 = arith.index_cast %mul3A_35 : i32 to index
      %swap3A_92 = arith.constant 48 : index
      %swap3A_93 = tpu.vector_load %arg11[%swap3A_91, %swap3A_92] {strides = array<i32>} : memref<32x128xf32, #tpu.memory_space<vmem>>, vector<16xf32>,
      tpu.vector_store %arg11[%swap3A_91, %swap3A_92], %parallel_loop3A_82#3 {strides = array<i32>} : memref<32x128xf32, #tpu.memory_space<vmem>>, vector<16xf32>,
      %swap3A_94 = arith.index_cast %mul3A_35 : i32 to index
      %swap3A_95 = arith.constant 64 : index
      %swap3A_96 = tpu.vector_load %arg11[%swap3A_94, %swap3A_95] {strides = array<i32>} : memref<32x128xf32, #tpu.memory_space<vmem>>, vector<16xf32>,
      tpu.vector_store %arg11[%swap3A_94, %swap3A_95], %parallel_loop3A_82#4 {strides = array<i32>} : memref<32x128xf32, #tpu.memory_space<vmem>>, vector<16xf32>,
      %swap3A_97 = arith.index_cast %mul3A_35 : i32 to index
      %swap3A_98 = arith.constant 80 : index
      %swap3A_99 = tpu.vector_load %arg11[%swap3A_97, %swap3A_98] {strides = array<i32>} : memref<32x128xf32, #tpu.memory_space<vmem>>, vector<16xf32>,
      tpu.vector_store %arg11[%swap3A_97, %swap3A_98], %parallel_loop3A_82#5 {strides = array<i32>} : memref<32x128xf32, #tpu.memory_space<vmem>>, vector<16xf32>,
      %swap3A_100 = arith.index_cast %mul3A_35 : i32 to index
      %swap3A_101 = arith.constant 96 : index
      %swap3A_102 = tpu.vector_load %arg11[%swap3A_100, %swap3A_101] {strides = array<i32>} : memref<32x128xf32, #tpu.memory_space<vmem>>, vector<16xf32>,
      tpu.vector_store %arg11[%swap3A_100, %swap3A_101], %parallel_loop3A_82#6 {strides = array<i32>} : memref<32x128xf32, #tpu.memory_space<vmem>>, vector<16xf32>,
      %swap3A_103 = arith.index_cast %mul3A_35 : i32 to index
      %swap3A_104 = arith.constant 112 : index
      %swap3A_105 = tpu.vector_load %arg11[%swap3A_103, %swap3A_104] {strides = array<i32>} : memref<32x128xf32, #tpu.memory_space<vmem>>, vector<16xf32>,
      tpu.vector_store %arg11[%swap3A_103, %swap3A_104], %parallel_loop3A_82#7 {strides = array<i32>} : memref<32x128xf32, #tpu.memory_space<vmem>>, vector<16xf32>,
      %dma_wait3A_106 = arith.constant 0 : i32
      %dma_wait3A_107 = arith.constant 0 : i32
      %dma_wait3A_108 = arith.constant 0 : i32
      %dma_wait3A_109 = arith.constant 0 : i32
      %dma_wait3A_110 = tpu.memref_slice %arg10[%dma_wait3A_108, %dma_wait3A_109] : memref<256x128xf32, #tpu.memory_space<vmem>> -> memref<128x128xf32, #tpu.memory_space<vmem>>
      %dma_wait3A_111 = arith.constant 0 : i32
      %dma_wait3A_112 = tpu.memref_slice %arg6[%dma_wait3A_106, %dma_wait3A_107, %dma_wait3A_111] : memref<32x2x128xi32, #tpu.memory_space<vmem>> -> memref<1x1x128xi32, #tpu.memory_space<vmem>>
      %dma_wait3A_113 = tpu.memref_squeeze %dma_wait3A_112 : memref<1x1x128xi32, #tpu.memory_space<vmem>> -> memref<128xi32, #tpu.memory_space<vmem>>
      %dma_wait3A_114 = arith.constant 0 : i32
      %dma_wait3A_115 = arith.constant 0 : i32
      %dma_wait3A_116 = tpu.memref_slice %arg4[%dma_wait3A_114, %dma_wait3A_115] : memref<100000x128xf32, #tpu.memory_space<hbm>> -> memref<100000x128xf32, #tpu.memory_space<hbm>>
      tpu.wait_indirect_dma semaphore(%arg13 : memref<!tpu.dma_semaphore, #tpu.memory_space<semaphore_mem>>) src(%dma_wait3A_116 : memref<100000x128xf32, #tpu.memory_space<hbm>>) dst(%dma_wait3A_110 : memref<128x128xf32, #tpu.memory_space<vmem>>)
      %dma_wait3A_117 = arith.constant 0 : i32
      %dma_wait3A_118 = arith.constant 1 : i32
      %dma_wait3A_119 = arith.constant 128 : i32
      %dma_wait3A_120 = arith.constant 0 : i32
      %dma_wait3A_121 = tpu.memref_slice %arg10[%dma_wait3A_119, %dma_wait3A_120] : memref<256x128xf32, #tpu.memory_space<vmem>> -> memref<128x128xf32, #tpu.memory_space<vmem>>
      %dma_wait3A_122 = arith.constant 0 : i32
      %dma_wait3A_123 = tpu.memref_slice %arg6[%dma_wait3A_117, %dma_wait3A_118, %dma_wait3A_122] : memref<32x2x128xi32, #tpu.memory_space<vmem>> -> memref<1x1x128xi32, #tpu.memory_space<vmem>>
      %dma_wait3A_124 = tpu.memref_squeeze %dma_wait3A_123 : memref<1x1x128xi32, #tpu.memory_space<vmem>> -> memref<128xi32, #tpu.memory_space<vmem>>
      %dma_wait3A_125 = arith.constant 0 : i32
      %dma_wait3A_126 = arith.constant 0 : i32
      %dma_wait3A_127 = tpu.memref_slice %arg4[%dma_wait3A_125, %dma_wait3A_126] : memref<100000x128xf32, #tpu.memory_space<hbm>> -> memref<100000x128xf32, #tpu.memory_space<hbm>>
      tpu.wait_indirect_dma semaphore(%arg13 : memref<!tpu.dma_semaphore, #tpu.memory_space<semaphore_mem>>) src(%dma_wait3A_127 : memref<100000x128xf32, #tpu.memory_space<hbm>>) dst(%dma_wait3A_121 : memref<128x128xf32, #tpu.memory_space<vmem>>)
      %add3A_128 = arith.constant 2 : i32
      %add3A_129 = arith.addi %mul3A_35, %add3A_128 : i32
      %lt3A = arith.constant 32 : i32
      %lt3A_130 = arith.cmpi slt, %add3A_129, %lt3A : i32
      %convert_element_type3A = arith.extui %lt3A_130 : i1 to i32
      %cond3A = arith.constant 0 : i32
      %cond3A_131 = arith.cmpi ne, %convert_element_type3A, %cond3A : i32
      scf.if %cond3A_131 {
        %add3A_164 = arith.constant 2 : i32
        %add3A_165 = arith.addi %mul3A_35, %add3A_164 : i32
        %dma_start3A_166 = arith.constant 0 : i32
        %dma_start3A_167 = arith.constant 0 : i32
        %dma_start3A_168 = arith.constant 0 : i32
        %dma_start3A_169 = tpu.memref_slice %arg9[%dma_start3A_167, %dma_start3A_168] : memref<256x128xf32, #tpu.memory_space<vmem>> -> memref<128x128xf32, #tpu.memory_space<vmem>>
        %dma_start3A_170 = arith.constant 0 : i32
        %dma_start3A_171 = tpu.memref_slice %arg6[%add3A_165, %dma_start3A_166, %dma_start3A_170] : memref<32x2x128xi32, #tpu.memory_space<vmem>> -> memref<1x1x128xi32, #tpu.memory_space<vmem>>
        %dma_start3A_172 = tpu.memref_squeeze %dma_start3A_171 : memref<1x1x128xi32, #tpu.memory_space<vmem>> -> memref<128xi32, #tpu.memory_space<vmem>>
        %dma_start3A_173 = arith.constant 0 : i32
        %dma_start3A_174 = arith.constant 0 : i32
        %dma_start3A_175 = tpu.memref_slice %arg4[%dma_start3A_173, %dma_start3A_174] : memref<100000x128xf32, #tpu.memory_space<hbm>> -> memref<100000x128xf32, #tpu.memory_space<hbm>>
        tpu.enqueue_indirect_dma source(%dma_start3A_175 : memref<100000x128xf32, #tpu.memory_space<hbm>>) target(%dma_start3A_169 : memref<128x128xf32, #tpu.memory_space<vmem>>) offsets(%dma_start3A_172 : memref<128xi32, #tpu.memory_space<vmem>>) semaphore(%arg12 : memref<!tpu.dma_semaphore, #tpu.memory_space<semaphore_mem>>)
        %dma_start3A_176 = arith.constant 1 : i32
        %dma_start3A_177 = arith.constant 128 : i32
        %dma_start3A_178 = arith.constant 0 : i32
        %dma_start3A_179 = tpu.memref_slice %arg9[%dma_start3A_177, %dma_start3A_178] : memref<256x128xf32, #tpu.memory_space<vmem>> -> memref<128x128xf32, #tpu.memory_space<vmem>>
        %dma_start3A_180 = arith.constant 0 : i32
        %dma_start3A_181 = tpu.memref_slice %arg6[%add3A_165, %dma_start3A_176, %dma_start3A_180] : memref<32x2x128xi32, #tpu.memory_space<vmem>> -> memref<1x1x128xi32, #tpu.memory_space<vmem>>
        %dma_start3A_182 = tpu.memref_squeeze %dma_start3A_181 : memref<1x1x128xi32, #tpu.memory_space<vmem>> -> memref<128xi32, #tpu.memory_space<vmem>>
        %dma_start3A_183 = arith.constant 0 : i32
        %dma_start3A_184 = arith.constant 0 : i32
        %dma_start3A_185 = tpu.memref_slice %arg4[%dma_start3A_183, %dma_start3A_184] : memref<100000x128xf32, #tpu.memory_space<hbm>> -> memref<100000x128xf32, #tpu.memory_space<hbm>>
        tpu.enqueue_indirect_dma source(%dma_start3A_185 : memref<100000x128xf32, #tpu.memory_space<hbm>>) target(%dma_start3A_179 : memref<128x128xf32, #tpu.memory_space<vmem>>) offsets(%dma_start3A_182 : memref<128xi32, #tpu.memory_space<vmem>>) semaphore(%arg12 : memref<!tpu.dma_semaphore, #tpu.memory_space<semaphore_mem>>)
      } else {
      }
      %add3A_132 = arith.constant 1 : i32
      %add3A_133 = arith.addi %mul3A_35, %add3A_132 : i32
      %broadcast_in_dim3A_134 = arith.constant 0.000000e+00 : f32
      %broadcast_in_dim3A_135 = vector.broadcast %broadcast_in_dim3A_134 : f32 to vector<16xf32>
      %parallel_loop3A_136 = arith.constant 0 : i32
      %parallel_loop3A_137 = arith.constant 256 : i32
      %parallel_loop3A_138 = arith.constant 1 : i32
      %parallel_loop3A_139:8 = scf.for %parallel_loop3A_164 = %parallel_loop3A_136 to %parallel_loop3A_137 step %parallel_loop3A_138 iter_args(%parallel_loop3A_165 = %broadcast_in_dim3A_135, %parallel_loop3A_166 = %broadcast_in_dim3A_135, %parallel_loop3A_167 = %broadcast_in_dim3A_135, %parallel_loop3A_168 = %broadcast_in_dim3A_135, %parallel_loop3A_169 = %broadcast_in_dim3A_135, %parallel_loop3A_170 = %broadcast_in_dim3A_135, %parallel_loop3A_171 = %broadcast_in_dim3A_135, %parallel_loop3A_172 = %broadcast_in_dim3A_135) -> (vector<16xf32>, vector<16xf32>, vector<16xf32>, vector<16xf32>, vector<16xf32>, vector<16xf32>, vector<16xf32>, vector<16xf32>)  : i32 {
        %parallel_loop3A_173 = vector.broadcast %add3A_133 : i32 to vector<16xi32>
        %parallel_loop3A_174 = vector.broadcast %parallel_loop3A_164 : i32 to vector<16xi32>
        %parallel_loop3A_175 = tpu.vector_load_idx %arg8[%parallel_loop3A_173, %parallel_loop3A_174] : memref<32x256xf32, #tpu.memory_space<vmem>>[vector<16xi32>, vector<16xi32>], vector<16xf32>,
        %parallel_loop3A_176 = arith.index_cast %parallel_loop3A_164 : i32 to index
        %parallel_loop3A_177 = arith.constant 0 : index
        %parallel_loop3A_178 = tpu.vector_load %arg10[%parallel_loop3A_176, %parallel_loop3A_177] {strides = array<i32>} : memref<256x128xf32, #tpu.memory_space<vmem>>, vector<16xf32>,
        %parallel_loop3A_179 = arith.mulf %parallel_loop3A_175, %parallel_loop3A_178 : vector<16xf32>
        %parallel_loop3A_180 = arith.addf %parallel_loop3A_165, %parallel_loop3A_179 : vector<16xf32>
        %parallel_loop3A_181 = arith.index_cast %parallel_loop3A_164 : i32 to index
        %parallel_loop3A_182 = arith.constant 16 : index
        %parallel_loop3A_183 = tpu.vector_load %arg10[%parallel_loop3A_181, %parallel_loop3A_182] {strides = array<i32>} : memref<256x128xf32, #tpu.memory_space<vmem>>, vector<16xf32>,
        %parallel_loop3A_184 = arith.mulf %parallel_loop3A_175, %parallel_loop3A_183 : vector<16xf32>
        %parallel_loop3A_185 = arith.addf %parallel_loop3A_166, %parallel_loop3A_184 : vector<16xf32>
        %parallel_loop3A_186 = arith.index_cast %parallel_loop3A_164 : i32 to index
        %parallel_loop3A_187 = arith.constant 32 : index
        %parallel_loop3A_188 = tpu.vector_load %arg10[%parallel_loop3A_186, %parallel_loop3A_187] {strides = array<i32>} : memref<256x128xf32, #tpu.memory_space<vmem>>, vector<16xf32>,
        %parallel_loop3A_189 = arith.mulf %parallel_loop3A_175, %parallel_loop3A_188 : vector<16xf32>
        %parallel_loop3A_190 = arith.addf %parallel_loop3A_167, %parallel_loop3A_189 : vector<16xf32>
        %parallel_loop3A_191 = arith.index_cast %parallel_loop3A_164 : i32 to index
        %parallel_loop3A_192 = arith.constant 48 : index
        %parallel_loop3A_193 = tpu.vector_load %arg10[%parallel_loop3A_191, %parallel_loop3A_192] {strides = array<i32>} : memref<256x128xf32, #tpu.memory_space<vmem>>, vector<16xf32>,
        %parallel_loop3A_194 = arith.mulf %parallel_loop3A_175, %parallel_loop3A_193 : vector<16xf32>
        %parallel_loop3A_195 = arith.addf %parallel_loop3A_168, %parallel_loop3A_194 : vector<16xf32>
        %parallel_loop3A_196 = arith.index_cast %parallel_loop3A_164 : i32 to index
        %parallel_loop3A_197 = arith.constant 64 : index
        %parallel_loop3A_198 = tpu.vector_load %arg10[%parallel_loop3A_196, %parallel_loop3A_197] {strides = array<i32>} : memref<256x128xf32, #tpu.memory_space<vmem>>, vector<16xf32>,
        %parallel_loop3A_199 = arith.mulf %parallel_loop3A_175, %parallel_loop3A_198 : vector<16xf32>
        %parallel_loop3A_200 = arith.addf %parallel_loop3A_169, %parallel_loop3A_199 : vector<16xf32>
        %parallel_loop3A_201 = arith.index_cast %parallel_loop3A_164 : i32 to index
        %parallel_loop3A_202 = arith.constant 80 : index
        %parallel_loop3A_203 = tpu.vector_load %arg10[%parallel_loop3A_201, %parallel_loop3A_202] {strides = array<i32>} : memref<256x128xf32, #tpu.memory_space<vmem>>, vector<16xf32>,
        %parallel_loop3A_204 = arith.mulf %parallel_loop3A_175, %parallel_loop3A_203 : vector<16xf32>
        %parallel_loop3A_205 = arith.addf %parallel_loop3A_170, %parallel_loop3A_204 : vector<16xf32>
        %parallel_loop3A_206 = arith.index_cast %parallel_loop3A_164 : i32 to index
        %parallel_loop3A_207 = arith.constant 96 : index
        %parallel_loop3A_208 = tpu.vector_load %arg10[%parallel_loop3A_206, %parallel_loop3A_207] {strides = array<i32>} : memref<256x128xf32, #tpu.memory_space<vmem>>, vector<16xf32>,
        %parallel_loop3A_209 = arith.mulf %parallel_loop3A_175, %parallel_loop3A_208 : vector<16xf32>
        %parallel_loop3A_210 = arith.addf %parallel_loop3A_171, %parallel_loop3A_209 : vector<16xf32>
        %parallel_loop3A_211 = arith.index_cast %parallel_loop3A_164 : i32 to index
        %parallel_loop3A_212 = arith.constant 112 : index
        %parallel_loop3A_213 = tpu.vector_load %arg10[%parallel_loop3A_211, %parallel_loop3A_212] {strides = array<i32>} : memref<256x128xf32, #tpu.memory_space<vmem>>, vector<16xf32>,
        %parallel_loop3A_214 = arith.mulf %parallel_loop3A_175, %parallel_loop3A_213 : vector<16xf32>
        %parallel_loop3A_215 = arith.addf %parallel_loop3A_172, %parallel_loop3A_214 : vector<16xf32>
        scf.yield %parallel_loop3A_180, %parallel_loop3A_185, %parallel_loop3A_190, %parallel_loop3A_195, %parallel_loop3A_200, %parallel_loop3A_205, %parallel_loop3A_210, %parallel_loop3A_215 : vector<16xf32>, vector<16xf32>, vector<16xf32>, vector<16xf32>, vector<16xf32>, vector<16xf32>, vector<16xf32>, vector<16xf32>
      } {sc.loop_unroll_factor = 8 : i64, sc.parallel_access}
      %swap3A_140 = arith.index_cast %add3A_133 : i32 to index
      %swap3A_141 = arith.constant 0 : index
      %swap3A_142 = tpu.vector_load %arg11[%swap3A_140, %swap3A_141] {strides = array<i32>} : memref<32x128xf32, #tpu.memory_space<vmem>>, vector<16xf32>,
      tpu.vector_store %arg11[%swap3A_140, %swap3A_141], %parallel_loop3A_139#0 {strides = array<i32>} : memref<32x128xf32, #tpu.memory_space<vmem>>, vector<16xf32>,
      %swap3A_143 = arith.index_cast %add3A_133 : i32 to index
      %swap3A_144 = arith.constant 16 : index
      %swap3A_145 = tpu.vector_load %arg11[%swap3A_143, %swap3A_144] {strides = array<i32>} : memref<32x128xf32, #tpu.memory_space<vmem>>, vector<16xf32>,
      tpu.vector_store %arg11[%swap3A_143, %swap3A_144], %parallel_loop3A_139#1 {strides = array<i32>} : memref<32x128xf32, #tpu.memory_space<vmem>>, vector<16xf32>,
      %swap3A_146 = arith.index_cast %add3A_133 : i32 to index
      %swap3A_147 = arith.constant 32 : index
      %swap3A_148 = tpu.vector_load %arg11[%swap3A_146, %swap3A_147] {strides = array<i32>} : memref<32x128xf32, #tpu.memory_space<vmem>>, vector<16xf32>,
      tpu.vector_store %arg11[%swap3A_146, %swap3A_147], %parallel_loop3A_139#2 {strides = array<i32>} : memref<32x128xf32, #tpu.memory_space<vmem>>, vector<16xf32>,
      %swap3A_149 = arith.index_cast %add3A_133 : i32 to index
      %swap3A_150 = arith.constant 48 : index
      %swap3A_151 = tpu.vector_load %arg11[%swap3A_149, %swap3A_150] {strides = array<i32>} : memref<32x128xf32, #tpu.memory_space<vmem>>, vector<16xf32>,
      tpu.vector_store %arg11[%swap3A_149, %swap3A_150], %parallel_loop3A_139#3 {strides = array<i32>} : memref<32x128xf32, #tpu.memory_space<vmem>>, vector<16xf32>,
      %swap3A_152 = arith.index_cast %add3A_133 : i32 to index
      %swap3A_153 = arith.constant 64 : index
      %swap3A_154 = tpu.vector_load %arg11[%swap3A_152, %swap3A_153] {strides = array<i32>} : memref<32x128xf32, #tpu.memory_space<vmem>>, vector<16xf32>,
      tpu.vector_store %arg11[%swap3A_152, %swap3A_153], %parallel_loop3A_139#4 {strides = array<i32>} : memref<32x128xf32, #tpu.memory_space<vmem>>, vector<16xf32>,
      %swap3A_155 = arith.index_cast %add3A_133 : i32 to index
      %swap3A_156 = arith.constant 80 : index
      %swap3A_157 = tpu.vector_load %arg11[%swap3A_155, %swap3A_156] {strides = array<i32>} : memref<32x128xf32, #tpu.memory_space<vmem>>, vector<16xf32>,
      tpu.vector_store %arg11[%swap3A_155, %swap3A_156], %parallel_loop3A_139#5 {strides = array<i32>} : memref<32x128xf32, #tpu.memory_space<vmem>>, vector<16xf32>,
      %swap3A_158 = arith.index_cast %add3A_133 : i32 to index
      %swap3A_159 = arith.constant 96 : index
      %swap3A_160 = tpu.vector_load %arg11[%swap3A_158, %swap3A_159] {strides = array<i32>} : memref<32x128xf32, #tpu.memory_space<vmem>>, vector<16xf32>,
      tpu.vector_store %arg11[%swap3A_158, %swap3A_159], %parallel_loop3A_139#6 {strides = array<i32>} : memref<32x128xf32, #tpu.memory_space<vmem>>, vector<16xf32>,
      %swap3A_161 = arith.index_cast %add3A_133 : i32 to index
      %swap3A_162 = arith.constant 112 : index
      %swap3A_163 = tpu.vector_load %arg11[%swap3A_161, %swap3A_162] {strides = array<i32>} : memref<32x128xf32, #tpu.memory_space<vmem>>, vector<16xf32>,
      tpu.vector_store %arg11[%swap3A_161, %swap3A_162], %parallel_loop3A_139#7 {strides = array<i32>} : memref<32x128xf32, #tpu.memory_space<vmem>>, vector<16xf32>,
    }
    %scan3A_32 = arith.constant 16 : i32
    "tpu.region"() ({
      %run_scoped3A = tpu.sem_alloc : memref<!tpu.dma_semaphore, #tpu.memory_space<semaphore_mem>>
      %dma_start3A_33 = arith.constant 0 : i32
      %dma_start3A_34 = tpu.memref_slice %arg5[%mul3A_2, %dma_start3A_33] : memref<1024x128xf32, #tpu.memory_space<hbm>> -> memref<32x128xf32, #tpu.memory_space<hbm>>
      %dma_start3A_35 = arith.constant 0 : i32
      %dma_start3A_36 = tpu.memref_slice %arg5[%mul3A_2, %dma_start3A_35] : memref<1024x128xf32, #tpu.memory_space<hbm>> -> memref<32x128xf32, #tpu.memory_space<hbm>>
      tpu.enqueue_dma source(%arg11 : memref<32x128xf32, #tpu.memory_space<vmem>>) target(%dma_start3A_36 : memref<32x128xf32, #tpu.memory_space<hbm>>) target_semaphore(%run_scoped3A : memref<!tpu.dma_semaphore, #tpu.memory_space<semaphore_mem>>)
      %dma_wait3A = arith.constant 0 : i32
      %dma_wait3A_37 = tpu.memref_slice %arg5[%mul3A_2, %dma_wait3A] : memref<1024x128xf32, #tpu.memory_space<hbm>> -> memref<32x128xf32, #tpu.memory_space<hbm>>
      %dma_wait3A_38 = arith.constant 0 : i32
      %dma_wait3A_39 = tpu.memref_slice %arg5[%mul3A_2, %dma_wait3A_38] : memref<1024x128xf32, #tpu.memory_space<hbm>> -> memref<32x128xf32, #tpu.memory_space<hbm>>
      tpu.wait_dma2 semaphore(%run_scoped3A : memref<!tpu.dma_semaphore, #tpu.memory_space<semaphore_mem>>) src(%arg11 : memref<32x128xf32, #tpu.memory_space<vmem>>) dst(%dma_wait3A_39 : memref<32x128xf32, #tpu.memory_space<hbm>>)
      tpu.yield
    }) : () -> ()
    return
  }
}

</mosaic_0001>

<sc_bundles>
// kernel: _sc_pool.3.cloned.1.call-start
scs
__scs_entry_jumppad:
0x0: {  	(pc) =	sbr.rel $0x88, $3  }
0x1: {  	(tag) =	ssettag $0x0;
	lr =	simm.s32 $0x1  }
0x2: {  	[smem:$0x3F9E] =	sst lr;
	_ =	strace $0xD0000000  }
0x3: {  	_ = 	snop  }
0x4: {  	_ = 	snop  }
0x5: {  	_ = 	snop  }
0x6: {  	_ = 	snop  }
0x7: {  	_ = 	snop  }
__scs_overlays_trampoline_lowered:
0x8: {  	[smem:$0x3FAD] =	sst s0  }
0x9: {  	[smem:$0x3FAE] =	sst s1  }
0xa: {  	[smem:$0x3FAF] =	sst s2  }
0xb: {  	[smem:$0x3FB0] =	sst s3  }
0xc: {  	[smem:$0x3FB1] =	sst s4  }
0xd: {  	[smem:$0x3FB2] =	sst s5  }
0xe: {  	[smem:$0x3FB3] =	sst s6  }
0xf: {  	[smem:$0x3FB4] =	sst s7  }
0x10: {  	[smem:$0x3FB5] =	sst s8  }
0x11: {  	[smem:$0x3FB6] =	sst s9;
	s0 =	simm.s32 @!p0 $0x0  }
0x12: {  	s1 =	sld [smem:$0x3F9C];
	s0 =	simm.s32 @p0 $0x1  }
0x13: {  	[smem:$0x3FB7] =	sst s0;
	s0 =	simm.s32 @!p1 $0x0  }
0x14: {  	s2 =	sld [smem:$0x3F9B];
	s0 =	simm.s32 @p1 $0x1  }
0x15: {  	[smem:$0x3FB8] =	sst s0;
	s0 =	simm.s32 @!p2 $0x0  }
0x16: {  	s3 =	sld [smem:$0x3FDB];
	s0 =	simm.s32 @p2 $0x1  }
0x17: {  	s4 =	simm.s32 $0x1BF5;
	[smem:$0x3FBA] =	sst s0  }
0x18: {  	s0 =	sld [smem:$0x3F9D];
	_ =	swait.ge [sflag:s4], $0x0  }
0x19: {  	s7 =	sld [smem:$0x3F9E]  }
0x1a: {  	s8 =	sadd.s32 $0xFFFFE003, lr  }
0x1b: {  	s9 =	sadd.s32 $0xFFFFFEF7, lr;
	s5 =	simm.s32 $0xFFFFFFFF;
	p2 =	slt.u32 s8, $0xFFFFF086  }
0x1c: {  	p1 =	slt.u32 s9, $0xF7A;
	s5 =	simm.s32 @!p2 $0x0  }
0x1d: {  	s5 =	simm.s32 @p1 $0x1;
	p0 =	seq.s32 s7, s2  }
0x1e: {  	s7 =	smul.u32 @!p0 $0xF7A, s2;
	p2 =	seq.s32 @!p0 s5, $0x0  }
0x1f: {  	s9 =	smul.u32 $0xF7A, s1;
	s8 =	simm.s32 @!p0 $0x1BF5;
	p2 =	por !p2, p0  }
0x20: {  	[sflag:s8] =	ssyncset.s32 @!p0 $0xFFFFF086;
	s6 =	sadd.s32 @!p0 s3, s7;
	s7 =	simm.s32 @!p0 $0x108  }
0x21: {  	s3 =	sadd.s32 s3, s9;
	s6 =	sadd.s32 @!p0 $0x88, s6;
	s7 =	simm.s32 @p2 $0x1082  }
0x22: {  	[simem:s7], [sflag:s8] =	dma.local @!p0 [hbm:s6], $0xF7A  }
0x23: {  	s9 =	sor.u32 $0xD0000000, s2;
	s6 =	simm.s32 $0x108;
	_ =	swait.ge @!p0 [sflag:s8], $0x0  }
0x24: {  	s3 =	sadd.s32 $0x88, s3;
	s6 =	simm.s32 @!p1 $0x1082;
	[sflag:s4] =	ssyncset.s32 $0xFFFFF086  }
0x25: {  	[simem:s6], [sflag:s4] =	dma.local [hbm:s3], $0xF7A  }
0x26: {  	[smem:$0x3F9E] =	sst s1;
	(tag) =	ssettag s2;
	_ =	strace s9  }
0x27: {  	s1 =	sld [smem:$0x3FAE]  }
0x28: {  	s2 =	sld [smem:$0x3FAF]  }
0x29: {  	s4 =	sld [smem:$0x3FB1]  }
0x2a: {  	p0 =	seq.s32 s5, $0x0;
	s5 =	sld [smem:$0x3FB2]  }
0x2b: {  	s6 =	sld [smem:$0x3FB3]  }
0x2c: {  	s7 =	sld [smem:$0x3FB4]  }
0x2d: {  	s3 =	simm.s32 $0x108;
	s8 =	sld [smem:$0x3FB5]  }
0x2e: {  	s3 =	simm.s32 @!p0 $0x1082;
	s9 =	sld [smem:$0x3FB6]  }
0x2f: {  	lr =	sadd.s32 s0, s3;
	s0 =	sld [smem:$0x3FAD]  }
0x30: {  	s3 =	sld [smem:$0x3FB0]  }
0x31: {  	[smem:$0x3FB9] =	sst s10  }
0x32: {  	s10 =	sld [smem:$0x3FB7];
	_ =	sdelay $0x3  }
0x33: {  	p0 =	seq.s32 s10, $0x1;
	s10 =	sld [smem:$0x3FB9];
	_ =	sdelay $0x3  }
0x34: {  	[smem:$0x3FB9] =	sst s10  }
0x35: {  	s10 =	sld [smem:$0x3FB8];
	_ =	sdelay $0x3  }
0x36: {  	p1 =	seq.s32 s10, $0x1;
	s10 =	sld [smem:$0x3FB9];
	_ =	sdelay $0x3  }
0x37: {  	[smem:$0x3FB9] =	sst s10  }
0x38: {  	s10 =	sld [smem:$0x3FBA]  }
0x39: {  	_ = 	snop;
	(pc) =	sbr.ind lr, $3  }
0x3a: {  	_ = 	snop  }
0x3b: {  	_ = 	snop  }
0x3c: {  	p2 =	seq.s32 s10, $0x1;
	s10 =	sld [smem:$0x3FB9]  }
0x3d: {  	_ =	shalt  }
0x3e: {  	_ =	shalt  }
0x3f: {  	_ =	shalt  }
0x40: {  	_ =	shalt  }
0x41: {  	_ =	shalt  }
0x42: {  	_ =	shalt  }
0x43: {  	_ =	shalt  }
0x44: {  	_ =	shalt  }
0x45: {  	_ =	shalt  }
0x46: {  	_ =	shalt  }
0x47: {  	_ =	shalt  }
0x48: {  	_ =	shalt  }
0x49: {  	_ =	shalt  }
0x4a: {  	_ =	shalt  }
0x4b: {  	_ =	shalt  }
0x4c: {  	_ =	shalt  }
0x4d: {  	_ =	shalt  }
0x4e: {  	_ =	shalt  }
0x4f: {  	_ =	shalt  }
0x50: {  	_ =	shalt  }
0x51: {  	_ =	shalt  }
0x52: {  	_ =	shalt  }
0x53: {  	_ =	shalt  }
0x54: {  	_ =	shalt  }
0x55: {  	_ =	shalt  }
0x56: {  	_ =	shalt  }
0x57: {  	_ =	shalt  }
0x58: {  	_ =	shalt  }
0x59: {  	_ =	shalt  }
0x5a: {  	_ =	shalt  }
0x5b: {  	_ =	shalt  }
0x5c: {  	_ =	shalt  }
0x5d: {  	_ =	shalt  }
0x5e: {  	_ =	shalt  }
0x5f: {  	_ =	shalt  }
0x60: {  	_ =	shalt  }
0x61: {  	_ =	shalt  }
0x62: {  	_ =	shalt  }
0x63: {  	_ =	shalt  }
0x64: {  	_ =	shalt  }
0x65: {  	_ =	shalt  }
0x66: {  	_ =	shalt  }
0x67: {  	_ =	shalt  }
0x68: {  	_ =	shalt  }
0x69: {  	_ =	shalt  }
0x6a: {  	_ =	shalt  }
0x6b: {  	_ =	shalt  }
0x6c: {  	_ =	shalt  }
0x6d: {  	_ =	shalt  }
0x6e: {  	_ =	shalt  }
0x6f: {  	_ =	shalt  }
0x70: {  	_ =	shalt  }
0x71: {  	_ =	shalt  }
0x72: {  	_ =	shalt  }
0x73: {  	_ =	shalt  }
0x74: {  	_ =	shalt  }
0x75: {  	_ =	shalt  }
0x76: {  	_ =	shalt  }
0x77: {  	_ =	shalt  }
0x78: {  	_ =	shalt  }
0x79: {  	_ =	shalt  }
0x7a: {  	_ =	shalt  }
0x7b: {  	_ =	shalt  }
0x7c: {  	_ =	shalt  }
0x7d: {  	_ =	shalt  }
0x7e: {  	_ =	shalt  }
0x7f: {  	_ =	shalt  }
0x80: {  	_ =	shalt  }
0x81: {  	_ =	shalt  }
0x82: {  	_ =	shalt  }
0x83: {  	_ =	shalt  }
0x84: {  	_ =	shalt  }
0x85: {  	_ =	shalt  }
0x86: {  	_ =	shalt  }
0x87: {  	_ =	shalt  }
.Lfunc_end0:
.L_simem_size_0:
called_computation_lowered:
.L_overlay_start_0:
0x88: {  	s2 =	sld [smem:$0x3FD9]  }
0x89: {  	s3 =	sld [smem:$0x3FFE];
	_ =	sdelay $0x1  }
0x8a: {  	s1 =	srdreg.scid  }
0x8b: {  	s0 =	sand.u32 $0x1, s1  }
0x8c: {  	s17 =	sshll.u32 s0, $0xA;
	s2 =	sadd.s32 s3, s2  }
0x8d: {  	s2 =	sadd.s32 s2, s17  }
0x8e: {  	[smem:$0x3FC5] =	sst s2  }
0x8f: {  	_ = 	snop  }
0x90: {  	s2 =	sld [smem:$0x3FC9]  }
0x91: {  	s18 =	sld [smem:$0x3FC7]  }
0x92: {  	s4 =	sld [smem:$0x3FD0];
	(tm) =	ssettm $0x1  }
0x93: {  	s5 =	sld [smem:$0x3FFB];
	_ =	sdelay $0x3  }
0x94: {  	_ =	strace s5  }
0x95: {  	s5 =	sld [smem:$0x3FFC];
	_ =	sdelay $0x3  }
0x96: {  	_ =	strace s5  }
0x97: {  	s5 =	sld [smem:$0x3FFD];
	_ =	sdelay $0x3  }
0x98: {  	_ =	strace s5  }
0x99: {  	_ =	strace $0x8FFFFFFF  }
0x9a: {  	s19 =	sld [smem:$0x3FDB];
	_ =	sdelay $0x1  }
0x9b: {  	s6 =	simm.s32 $_scs_section_size  }
0x9c: {  	s7 =	simm.s32 $_size__tile_overlayer_lowered;
	s8 =	simm.s32 $_tile_overlayer_lowered  }
0x9d: {  	s22 =	simm.s32 $0x1BFF;
	s21 =	sshll.u32 s8, $0x1;
	s5 =	sadd.s32 s6, s19  }
0x9e: {  	s9 =	simm.s32 $0x0;
	s20 =	sshll.u32 s7, $0x1;
	s7 =	sadd.s32 s21, s5  }
0x9f: {  	[timem:s9], [sflag:s22] =	dma.local [hbm:s7], s20  }
0xa0: {  	_ =	swait.ge [sflag:s22], s20  }
0xa1: {  	s6 =	ssub.s32 $0x0, s20;
	[sflag:s22] =	ssyncset.done $0x0  }
0xa2: {  	[sflag:s22] =	ssyncadd.s32 s6;
	_ =	sdelay $0x1  }
0xa3: {  	s23 =	simm.s32 $0x1B8B  }
0xa4: {  	_ =	swait.ge [sflag:s23], $0x1  }
0xa5: {  	[sflag:s23] =	ssyncset.done $0x0  }
0xa6: {  	s25 =	simm.s32 $0x1B8E;
	s24 =	sld [smem:$0x3FFE];
	[sflag:s23] =	ssyncadd.s32 $0xFFFFFFFF  }
0xa7: {  	s26 =	simm.s32 $execute0_lowered;
	[smem:$0x3FD2] =	sst s25  }
0xa8: {  	s7 =	sshll.u32 s26, $0x1;
	_ =	strace $0x80000046;
	[dreg:$0x1] =	wrdreg $0xFFFFFFFF  }
0xa9: {  	s28 =	simm.s32 $_size_execute0_lowered;
	s5 =	sadd.s32 s5, s7;
	[dreg:$0x0] =	wrdreg $0x0  }
0xaa: {  	s7 =	sshll.u32 s28, $0x1;
	[dreg:$0x2] =	wrdreg s5  }
0xab: {  	[dreg:$0x3] =	wrdreg s7  }
0xac: {  	[dreg:$0x4] =	wrdreg $0xC0  }
0xad: {  	_ =	task [dreg:s9], $0x5FFFF  }
0xae: {  	[dreg:$0x1] =	wrdreg $0xFFFFFFFF  }
0xaf: {  	[dreg:$0x0] =	wrdreg $0x60  }
0xb0: {  	[dreg:$0x2] =	wrdreg s2  }
0xb1: {  	[dreg:$0x3] =	wrdreg s24  }
0xb2: {  	[dreg:$0x4] =	wrdreg s18  }
0xb3: {  	[dreg:$0x5] =	wrdreg s4  }
0xb4: {  	[dreg:$0x6] =	wrdreg $0x9  }
0xb5: {  	_ =	task.clear_ibuf [dreg:s9], $0x7FFFF;
	_ =	strace $0x90000046  }
0xb6: {  	s29 =	simm.s32 $0x9;
	_ =	strace $0x80000048  }
0xb7: {  	_ =	swait.ge [sflag:s29], $0x1  }
0xb8: {  	[sflag:s29] =	ssyncadd.s32 $0xFFFFFFFF  }
0xb9: {  	_ =	strace $0x90000048  }
0xba: {  	_ =	sfence  }
0xbb: {  	s30 =	sld [smem:$0x0];
	_ =	sdelay $0x2  }
0xbc: {  	s31 =	sshll.u32 s1, $0xD;
	s1 =	sshrl.u32 s1, $0x2  }
0xbd: {  	s3 =	sand.u32 $0x4000, s31;
	s1 =	sadd.s32 s1, s30  }
0xbe: {  	s0 =	sor.u32 s3, s0;
	s1 =	sshll.u32 s1, $0x11  }
0xbf: {  	s0 =	sor.u32 s1, s0  }
0xc0: {  	s0 =	sadd.s32 $0x8F2B, s0  }
0xc1: {  	[sflag:s0] =	ssyncadd.remote.s32 $0x1  }
0xc2: {  	_ =	sfence.sel $0xFFFF  }
0xc3: {  	[dreg:$0x0] =	wrdreg $0xFFFFFFFF;
	(pc) =	sbr.abs _section_cstart, $3  }
0xc4: {  	[dreg:$0x1] =	wrdreg $0xFFFFFFFF  }
0xc5: {  	_ =	task.clear_ibuf [dreg:s9], $0x2FFFF;
	_ =	strace $0x9FFFFFFF  }
0xc6: {  	(tm) =	ssettm $0x7FFFFFFF  }
0xc7: {  	_ =	shalt  }
tec
execute0_lowered:
.L_overlay_start_1:
0x0: {  	(tag) =	ssettag $0x1  }
0x1: {  	v0 =	vimm.s32 $0x55444433;
	v1 =	vimm.s32 $0xFAA55000;
	v2 =	vimm.s32 $0x99888877  }
0x2: {  	vm3 =	vcmask $0x1F00;
	v3 =	vimm.s32 $0xDDCCCCBB;
	v4 =	vimm.s32 $0x6060505  }
0x3: {  	v5 =	vimm.s32 $0xA0A0909;
	vm2 =	vcmask $0x2F20;
	vm1 =	vcmask $0xF00  }
0x4: {  	v6 =	vimm.s32 $0x11111010;
	v7 =	vimm.s32 $0x12121111;
	vm0 =	vcmask $0x1F10  }
0x5: {  	v8 =	vimm.s32 $0x14141313;
	v9 =	vimm.s32 $0x19191818;
	v10 =	vimm.s32 $0x1A1A1919  }
0x6: {  	v11 =	vimm.s32 $0x1C1C1B1B;
	v12 =	vimm.s32 $0x24242323;
	v13 =	vimm.s32 $0x28282727  }
0x7: {  	v14 =	vimm.s32 $0x29292828;
	v0 =	vunpack.c.l.s4.s8 v0;
	v2 =	vunpack.c.l.s4.s8 v2  }
0x8: {  	v1 =	vunpack.c.l.s2.s4 v1;
	v3 =	vunpack.c.l.s4.s8 v3;
	v4 =	vunpack.c.0.s8.s32 v4  }
0x9: {  	v5 =	vunpack.c.0.s8.s32 v5;
	v6 =	vunpack.c.0.s8.s32 v6;
	v2 =	vunpack.c.0.s8.s32 v2  }
0xa: {  	v7 =	vunpack.c.0.s8.s32 v7;
	v0 =	vunpack.c.0.s8.s32 v0;
	v1 =	vunpack.c.l.s4.s8 v1  }
0xb: {  	v9 =	vunpack.c.0.s8.s32 v9;
	v3 =	vunpack.c.0.s8.s32 v3;
	v2 =	vand.u32 $0xF, v2  }
0xc: {  	v0 =	vnsel vm3, $0x7, v0;
	v1 =	vunpack.c.0.s8.s32 v1;
	v2 =	vnsel vm3, $0xB, v2  }
0xd: {  	v4 =	vsel vm2, v4, v0;
	v0 =	vimm.s32 $0x10100F0F;
	v5 =	vsel vm2, v5, v2  }
0xe: {  	v2 =	vand.u32 $0xF, v3;
	v3 =	vimm.s32 $0xE0E0D0D;
	v0 =	vunpack.c.0.s8.s32 v0  }
0xf: {  	v10 =	vunpack.c.0.s8.s32 v10;
	v13 =	vunpack.c.0.s8.s32 v13;
	v3 =	vunpack.c.0.s8.s32 v3  }
0x10: {  	v15 =	vand.u32 $0x3, v1;
	v2 =	vnsel vm3, $0xF, v2;
	v0 =	vnsel vm1, $0x13, v0  }
0x11: {  	v0 =	vsel vm0, v6, v0;
	v6 =	vunpack.c.0.s8.s32 v8;
	v3 =	vsel vm2, v3, v2  }
0x12: {  	v8 =	vimm.s32 $0x16161515;
	v7 =	vsel vm2, v7, v0;
	v0 =	vimm.s32 $0x15151414  }
0x13: {  	v2 =	vnsel vm1, $0x17, v6;
	v0 =	vunpack.c.0.s8.s32 v0;
	v6 =	vimm.s32 $0x18181717  }
0x14: {  	vm3 =	vcmask $0x3730;
	v8 =	vunpack.c.0.s8.s32 v8;
	v6 =	vunpack.c.0.s8.s32 v6  }
0x15: {  	v16 =	vsel vm3, $0x6, v4;
	v5 =	vsel vm3, $0xA, v5;
	v0 =	vsel vm0, v0, v2  }
0x16: {  	v17 =	vsel vm3, $0xE, v3;
	v6 =	vnsel vm1, $0x1B, v6;
	v8 =	vsel vm2, v8, v0  }
0x17: {  	v0 =	vimm.s32 $0x1D1D1C1C;
	v2 =	vsel vm0, v9, v6;
	v6 =	vunpack.c.0.s8.s32 v11  }
0x18: {  	v3 =	vimm.s32 $0x30302F2F;
	v0 =	vunpack.c.0.s8.s32 v0;
	v9 =	vsel vm2, v10, v2  }
0x19: {  	v10 =	vimm.s32 $0x1E1E1D1D;
	v2 =	vnsel vm1, $0x1F, v6;
	v6 =	vimm.s32 $0x20201F1F  }
0x1a: {  	v11 =	vimm.s32 $0x21212020;
	v10 =	vunpack.c.0.s8.s32 v10;
	v6 =	vunpack.c.0.s8.s32 v6  }
0x1b: {  	s4 =	rddreg [dreg:$0x0];
	v7 =	vsel vm3, $0x12, v7;
	v11 =	vunpack.c.0.s8.s32 v11;
	v0 =	vsel vm0, v0, v2  }
0x1c: {  	s5 =	rddreg [dreg:$0x1];
	v3 =	vunpack.c.0.s8.s32 v3;
	v10 =	vsel vm2, v10, v0;
	v2 =	vnsel vm1, $0x23, v6  }
0x1d: {  	s0 =	rddreg [dreg:$0x2];
	v6 =	vunpack.c.0.s8.s32 v12;
	v0 =	vsel vm0, v11, v2;
	v11 =	vimm.s32 $0x25252424  }
0x1e: {  	s6 =	rddreg [dreg:$0x3];
	s3 =	simm.s32 $0x0;
	v3 =	vnsel vm1, $0x31, v3;
	v2 =	vimm.s32 $0x22222121;
	v11 =	vunpack.c.0.s8.s32 v11  }
0x1f: {  	[smem:$0x7FF] =	sst s3;
	v8 =	vsel vm3, $0x16, v8;
	v2 =	vunpack.c.0.s8.s32 v2;
	v6 =	vnsel vm1, $0x27, v6  }
0x20: {  	s1 =	rddreg [dreg:$0x4];
	_ =	strace $0x80000047;
	[tilespmem:$0x1FF50] =	vst v15;
	v9 =	vsel vm3, $0x1A, v9;
	v6 =	vsel vm0, v11, v6;
	v11 =	vunpack.c.0.s8.s32 v14  }
0x21: {  	s7 =	srdreg.scid;
	[tilespmem:$0x1FF60] =	vst v16;
	v12 =	vimm.s32 $0x26262525;
	v14 =	vsel vm2, v2, v0;
	v0 =	vnsel vm1, $0x2B, v13  }
0x22: {  	s2 =	stileid.u32;
	s11 =	simm.s32 $0x5000;
	s12 =	simm.s32 $0x9000;
	[tilespmem:$0x1FF70] =	vst v5;
	v12 =	vunpack.c.0.s8.s32 v12;
	v2 =	vsel vm0, v11, v0;
	v11 =	vimm.s32 $0x2C2C2B2B  }
0x23: {  	s13 =	simm.s32 $0x1;
	s14 =	simm.s32 $0xD000;
	s15 =	simm.s32 $0x11000;
	[tilespmem:$0x1FF80] =	vst v17;
	v10 =	vsel vm3, $0x1E, v10;
	v13 =	vimm.s32 $0x2D2D2C2C;
	v11 =	vunpack.c.0.s8.s32 v11  }
0x24: {  	s16 =	simm.s32 $0x3000;
	s17 =	simm.s32 $0x2;
	s7 =	sand.u32 $0x1, s7;
	[tilespmem:$0x1FF90] =	vst v7;
	v6 =	vsel vm2, v12, v6;
	v1 =	vunpack.c.0.s8.s32 v13;
	v0 =	vimm.s32 $0x2A2A2929  }
0x25: {  	s18 =	simm.s32 $0x15000;
	s8 =	sshll.u32 s2, $0x6;
	s9 =	sshll.u32 s7, $0x5;
	[tilespmem:$0x1FFA0] =	vst v8;
	v6 =	vsel vm3, $0x26, v6;
	v12 =	vunpack.c.0.s8.s32 v0;
	v11 =	vnsel vm1, $0x2F, v11  }
0x26: {  	s19 =	simm.s32 $0x0;
	s7 =	ssub.s32 $0x2, s7;
	s8 =	sor.u32 s9, s8;
	[tilespmem:$0x1FFB0] =	vst v9;
	v0 =	vimm.f32 $1.999999960e-02;
	v1 =	vsel vm0, v1, v11;
	v11 =	vimm.s32 $0x2E2E2D2D  }
0x27: {  	s10 =	sshrl.u32 s7, $0x1;
	s9 =	sshll.u32 s8, $0x4;
	s8 =	sshll.u32 s8, $0x5;
	[tilespmem:$0x1FFC0] =	vst v10;
	v12 =	vsel vm2, v12, v2;
	v2 =	vimm.s32 $0x1000302;
	v11 =	vunpack.c.0.s8.s32 v11  }
0x28: {  	s7 =	ssub.s32 s7, s10;
	s10 =	simm.s32 $0x80;
	s5 =	sadd.s32 s9, s5;
	[tilespmem:$0x1FFE0] =	vst v6;
	vm1 =	vcmask $0x1710;
	v2 =	vunpack.c.0.s8.s32 v2;
	v12 =	vsel vm3, $0x2A, v12  }
0x29: {  	s4 =	sadd.s32 s4, s8;
	s6 =	sadd.s32 s6, s9;
	s7 =	smax.u32 s7, $0x1;
	vm0 =	vmmov $0x3;
	[tilespmem:$0x1FFF0] =	vst v12;
	v1 =	vsel vm2, v11, v1;
	v11 =	vsel vm3, $0x22, v14  }
0x2a: {  	s8 =	simm.s32 $0x3;
	s9 =	simm.s32 $0x2000;
	s5 =	sadd.s32 $0x400, s5;
	v14 =	vsel vm1, $0x30, v3;
	vm1 =	vmmov $0x3ff;
	v13 =	vsel vm3, $0x2E, v1;
	[tilespmem:$0x1FFD0] =	vst v11  }
.LBB2_1:
0x2b: {  	[tilespmem:s3], [sflag:$0x3] =	stream.linear.gather [hbm4b:s4+s3], $0x2000, $0x38;
	[tilespmem:$0x16000] =	vst v63  }
0x2c: {  	_ =	swait.ge [sflag:s8], $0x2000  }
0x2d: {  	[sflag:s8] =	ssyncset.done $0x0  }
0x2e: {  	[sflag:s8] =	ssyncadd.s32 $0xFFFFE000  }
0x2f: {  	[tilespmem:s9], [sflag:$0x3] =	stream.linear.gather [hbm4b:s5+s3], $0x1000, $0x38;
	[tilespmem:$0x16000] =	vst v63  }
0x30: {  	_ =	swait.ge [sflag:s8], $0x1000  }
0x31: {  	[sflag:s8] =	ssyncset.done $0x0  }
0x32: {  	[sflag:s8] =	ssyncadd.s32 $0xFFFFF000  }
0x33: {  	[tilespmem:s11], [sflag:$0x1] =	stream.indirect.gather [hbm4b:s0+s10], $0x80, s3, s10, $0xb8;
	[tilespmem:$0x16000] =	vst v63  }
0x34: {  	s21 =	simm.s32 $0x0;
	s22 =	simm.s32 $0x0;
	s23 =	simm.s32 $0x0  }
0x35: {  	[tilespmem:s12], [sflag:$0x1] =	stream.indirect.gather [hbm4b:s0+s10], $0x80, s10, s10, $0xb8;
	[tilespmem:$0x16000] =	vst v63  }
.LBB2_2:
0x36: {  	s24 =	sshll.u32 s23, $0x7  }
0x37: {  	s20 =	sand.u32 $0x1800, s21;
	s25 =	sand.u32 $0x380, s22;
	v1 =	vor.u32 s24, v15  }
0x38: {  	s20 =	sor.u32 s25, s20  }
0x39: {  	[tilespmem:s20+$0x3000] =	vst v0  }
0x3a: {  	[tilespmem:s20+$0x3010] =	vst v0  }
0x3b: {  	[tilespmem:s20+$0x3020] =	vst v0  }
0x3c: {  	v1 =	vld.idx.msk [tilespmem:v1+s9+$0x0], $0xffff;
	_ =	sdelay $0x4  }
0x3d: {  	vm2 =	vgt.s32 v1, $0x1  }
0x3e: {  	v3 =	vnsel vm2, $0x1, v1  }
0x3f: {  	v3 =	vcvt.s32.f32 v3;
	_ =	sdelay $0x1  }
0x40: {  	(erf) = vrcp.f32 v3;
	_ =	sdelay $0x8  }
0x41: {  	vm2 =	vgt.s32 v1, v2;
	v1 =	vpop (erf)  }
0x42: {  	v3 =	vor.u32 s24, v16;
	v1 =	vnsel vm2, $0x0, v1  }
0x43: {  	v1 =	vsel vm0, $0x3F800000, v1  }
0x44: {  	v1 =	vmul.f32 $1.999999960e-02, v1;
	_ =	sdelay $0x1  }
0x45: {  	[tilespmem:s20+$0x3030] =	vst v1  }
0x46: {  	v1 =	vld.idx.msk [tilespmem:v3+s9+$0x0], $0xffff;
	_ =	sdelay $0x4  }
0x47: {  	vm2 =	vgt.s32 v1, $0x1  }
0x48: {  	v3 =	vnsel vm2, $0x1, v1  }
0x49: {  	v3 =	vcvt.s32.f32 v3;
	_ =	sdelay $0x1  }
0x4a: {  	(erf) = vrcp.f32 v3;
	_ =	sdelay $0x8  }
0x4b: {  	v4 =	vor.u32 s24, v5;
	v3 =	vpop (erf)  }
0x4c: {  	v3 =	vmul.f32 $1.999999960e-02, v3  }
0x4d: {  	vm2 =	vgt.s32 v1, v2  }
0x4e: {  	v1 =	vnsel vm2, $0x0, v3  }
0x4f: {  	[tilespmem:s20+$0x3040] =	vst v1  }
0x50: {  	v1 =	vld.idx.msk [tilespmem:v4+s9+$0x0], $0xffff;
	_ =	sdelay $0x4  }
0x51: {  	vm2 =	vgt.s32 v1, $0x1  }
0x52: {  	v3 =	vnsel vm2, $0x1, v1  }
0x53: {  	v3 =	vcvt.s32.f32 v3;
	_ =	sdelay $0x1  }
0x54: {  	(erf) = vrcp.f32 v3;
	_ =	sdelay $0x8  }
0x55: {  	v4 =	vor.u32 s24, v17;
	v3 =	vpop (erf)  }
0x56: {  	v3 =	vmul.f32 $1.999999960e-02, v3  }
0x57: {  	vm2 =	vgt.s32 v1, v2  }
0x58: {  	v1 =	vnsel vm2, $0x0, v3  }
0x59: {  	[tilespmem:s20+$0x3050] =	vst v1  }
0x5a: {  	v1 =	vld.idx.msk [tilespmem:v4+s9+$0x0], $0xffff;
	_ =	sdelay $0x4  }
0x5b: {  	vm2 =	vgt.s32 v1, $0x1  }
0x5c: {  	v3 =	vnsel vm2, $0x1, v1  }
0x5d: {  	v3 =	vcvt.s32.f32 v3;
	_ =	sdelay $0x1  }
0x5e: {  	(erf) = vrcp.f32 v3;
	_ =	sdelay $0x8  }
0x5f: {  	v4 =	vor.u32 s24, v7;
	v3 =	vpop (erf)  }
0x60: {  	v3 =	vmul.f32 $1.999999960e-02, v3  }
0x61: {  	vm2 =	vgt.s32 v1, v2  }
0x62: {  	v1 =	vnsel vm2, $0x0, v3  }
0x63: {  	[tilespmem:s20+$0x3060] =	vst v1  }
0x64: {  	v1 =	vld.idx.msk [tilespmem:v4+s9+$0x0], $0xffff;
	_ =	sdelay $0x4  }
0x65: {  	vm2 =	vgt.s32 v1, $0x1  }
0x66: {  	v3 =	vnsel vm2, $0x1, v1  }
0x67: {  	v3 =	vcvt.s32.f32 v3;
	_ =	sdelay $0x1  }
0x68: {  	(erf) = vrcp.f32 v3;
	_ =	sdelay $0x8  }
0x69: {  	v4 =	vor.u32 s24, v8;
	v3 =	vpop (erf)  }
0x6a: {  	v3 =	vmul.f32 $1.999999960e-02, v3  }
0x6b: {  	vm2 =	vgt.s32 v1, v2  }
0x6c: {  	v1 =	vnsel vm2, $0x0, v3  }
0x6d: {  	[tilespmem:s20+$0x3070] =	vst v1  }
0x6e: {  	v1 =	vld.idx.msk [tilespmem:v4+s9+$0x0], $0xffff;
	_ =	sdelay $0x4  }
0x6f: {  	vm2 =	vgt.s32 v1, $0x1  }
0x70: {  	v3 =	vnsel vm2, $0x1, v1  }
0x71: {  	v3 =	vcvt.s32.f32 v3;
	_ =	sdelay $0x1  }
0x72: {  	(erf) = vrcp.f32 v3;
	_ =	sdelay $0x8  }
0x73: {  	v4 =	vor.u32 s24, v9;
	v3 =	vpop (erf)  }
0x74: {  	v3 =	vmul.f32 $1.999999960e-02, v3  }
0x75: {  	vm2 =	vgt.s32 v1, v2  }
0x76: {  	v1 =	vnsel vm2, $0x0, v3  }
0x77: {  	[tilespmem:s20+$0x3400] =	vst v1  }
0x78: {  	v1 =	vld.idx.msk [tilespmem:v4+s9+$0x0], $0xffff;
	_ =	sdelay $0x4  }
0x79: {  	vm2 =	vgt.s32 v1, $0x1  }
0x7a: {  	v3 =	vnsel vm2, $0x1, v1  }
0x7b: {  	v3 =	vcvt.s32.f32 v3;
	_ =	sdelay $0x1  }
0x7c: {  	(erf) = vrcp.f32 v3;
	_ =	sdelay $0x8  }
0x7d: {  	v4 =	vor.u32 s24, v10;
	v3 =	vpop (erf)  }
0x7e: {  	v3 =	vmul.f32 $1.999999960e-02, v3  }
0x7f: {  	vm2 =	vgt.s32 v1, v2  }
0x80: {  	v1 =	vnsel vm2, $0x0, v3  }
0x81: {  	[tilespmem:s20+$0x3410] =	vst v1  }
0x82: {  	v1 =	vld.idx.msk [tilespmem:v4+s9+$0x0], $0xffff;
	_ =	sdelay $0x4  }
0x83: {  	vm2 =	vgt.s32 v1, $0x1  }
0x84: {  	v3 =	vnsel vm2, $0x1, v1  }
0x85: {  	v3 =	vcvt.s32.f32 v3;
	_ =	sdelay $0x1  }
0x86: {  	(erf) = vrcp.f32 v3;
	_ =	sdelay $0x8  }
0x87: {  	v4 =	vor.u32 s24, v11;
	v3 =	vpop (erf)  }
0x88: {  	v3 =	vmul.f32 $1.999999960e-02, v3  }
0x89: {  	vm2 =	vgt.s32 v1, v2  }
0x8a: {  	v1 =	vnsel vm2, $0x0, v3  }
0x8b: {  	[tilespmem:s20+$0x3420] =	vst v1  }
0x8c: {  	v1 =	vld.idx.msk [tilespmem:v4+s9+$0x0], $0xffff;
	_ =	sdelay $0x4  }
0x8d: {  	vm2 =	vgt.s32 v1, $0x1  }
0x8e: {  	v3 =	vnsel vm2, $0x1, v1  }
0x8f: {  	v3 =	vcvt.s32.f32 v3;
	_ =	sdelay $0x1  }
0x90: {  	(erf) = vrcp.f32 v3;
	_ =	sdelay $0x8  }
0x91: {  	v4 =	vor.u32 s24, v6;
	v3 =	vpop (erf)  }
0x92: {  	v3 =	vmul.f32 $1.999999960e-02, v3  }
0x93: {  	vm2 =	vgt.s32 v1, v2  }
0x94: {  	v1 =	vnsel vm2, $0x0, v3  }
0x95: {  	[tilespmem:s20+$0x3430] =	vst v1  }
0x96: {  	v1 =	vld.idx.msk [tilespmem:v4+s9+$0x0], $0xffff;
	_ =	sdelay $0x4  }
0x97: {  	vm2 =	vgt.s32 v1, $0x1  }
0x98: {  	v3 =	vnsel vm2, $0x1, v1  }
0x99: {  	v3 =	vcvt.s32.f32 v3;
	_ =	sdelay $0x1  }
0x9a: {  	(erf) = vrcp.f32 v3;
	_ =	sdelay $0x8  }
0x9b: {  	v4 =	vor.u32 s24, v12;
	v3 =	vpop (erf)  }
0x9c: {  	v3 =	vmul.f32 $1.999999960e-02, v3  }
0x9d: {  	vm2 =	vgt.s32 v1, v2  }
0x9e: {  	v1 =	vnsel vm2, $0x0, v3  }
0x9f: {  	[tilespmem:s20+$0x3440] =	vst v1  }
0xa0: {  	v1 =	vld.idx.msk [tilespmem:v4+s9+$0x0], $0xffff;
	_ =	sdelay $0x4  }
0xa1: {  	vm2 =	vgt.s32 v1, $0x1  }
0xa2: {  	v3 =	vnsel vm2, $0x1, v1  }
0xa3: {  	v3 =	vcvt.s32.f32 v3;
	_ =	sdelay $0x1  }
0xa4: {  	(erf) = vrcp.f32 v3;
	_ =	sdelay $0x8  }
0xa5: {  	v4 =	vor.u32 s24, v13;
	v3 =	vpop (erf)  }
0xa6: {  	v3 =	vmul.f32 $1.999999960e-02, v3  }
0xa7: {  	vm2 =	vgt.s32 v1, v2  }
0xa8: {  	v1 =	vnsel vm2, $0x0, v3  }
0xa9: {  	[tilespmem:s20+$0x3450] =	vst v1  }
0xaa: {  	v1 =	vld.idx.msk [tilespmem:v4+s9+$0x0], $0xffff;
	_ =	sdelay $0x4  }
0xab: {  	vm2 =	vgt.s32 v1, $0x1  }
0xac: {  	v3 =	vnsel vm2, $0x1, v1  }
0xad: {  	v3 =	vcvt.s32.f32 v3;
	_ =	sdelay $0x1  }
0xae: {  	(erf) = vrcp.f32 v3;
	_ =	sdelay $0x8  }
0xaf: {  	v4 =	vor.u32 s24, v14;
	v3 =	vpop (erf)  }
0xb0: {  	v3 =	vmul.f32 $1.999999960e-02, v3  }
0xb1: {  	vm2 =	vgt.s32 v1, v2  }
0xb2: {  	v1 =	vnsel vm2, $0x0, v3  }
0xb3: {  	[tilespmem:s20+$0x3460] =	vst v1  }
0xb4: {  	v1 =	vld.idx.msk [tilespmem:v4+s9+$0x0], $0xffff;
	_ =	sdelay $0x4  }
0xb5: {  	vm2 =	vgt.s32 v1, $0x1  }
0xb6: {  	v3 =	vnsel vm2, $0x1, v1  }
0xb7: {  	v3 =	vcvt.s32.f32 v3;
	_ =	sdelay $0x1  }
0xb8: {  	(erf) = vrcp.f32 v3;
	_ =	sdelay $0x8  }
0xb9: {  	p0 =	sne.s32 s23, $0x1F;
	vm2 =	vgt.s32 v1, v2;
	v1 =	vpop (erf)  }
.Ltmp0:
0xba: {  	v1 =	vnsel vm2, $0x0, v1;
	(pc) =	sbr.rel @p0 .LBB2_2-.Ltmp0, $4  }
0xbb: {  	v1 =	vnsel vm1, $0x0, v1  }
0xbc: {  	v1 =	vmul.f32 $1.999999960e-02, v1  }
0xbd: {  	s22 =	sadd.s32 $0x80, s22  }
0xbe: {  	s21 =	sadd.s32 $0x100, s21;
	s23 =	sadd.s32 $0x1, s23;
	[tilespmem:s20+$0x3470] =	vst v1;
	s20 =	simm.s32 $0x0  }
0xbf: {  	s21 =	simm.s32 $0x0  }
.LBB2_4:
0xc0: {  	_ =	swait.ge [sflag:s13], $0x4000  }
0xc1: {  	[sflag:s13] =	ssyncset.done $0x0  }
0xc2: {  	[sflag:s13] =	ssyncadd.s32 $0xFFFFC000  }
0xc3: {  	s22 =	sshllo.u32 s21, $0x1;
	_ =	swait.ge [sflag:s13], $0x4000  }
0xc4: {  	s23 =	sshll.u32 s22, $0x8;
	[sflag:s13] =	ssyncset.done $0x0  }
0xc5: {  	s23 =	sand.u32 $0x3FFFFF00, s23;
	[sflag:s13] =	ssyncadd.s32 $0xFFFFC000  }
0xc6: {  	[tilespmem:s14], [sflag:$0x2] =	stream.indirect.gather [hbm4b:s0+s10], $0x80, s23, s10, $0xb8;
	[tilespmem:$0x16000] =	vst v63  }
0xc7: {  	s23 =	sor.u32 $0x80, s23  }
0xc8: {  	[tilespmem:s15], [sflag:$0x2] =	stream.indirect.gather [hbm4b:s0+s10], $0x80, s23, s10, $0xb8;
	[tilespmem:$0x16000] =	vst v63  }
0xc9: {  	s23 =	simm.s32 $0x5200  }
0xca: {  	v1 =	vld [tilespmem:s23+$0x180]  }
0xcb: {  	v3 =	vld [tilespmem:s23+$0x190]  }
0xcc: {  	v4 =	vld [tilespmem:s23+$0x1A0]  }
0xcd: {  	v5 =	vld [tilespmem:s23+$0x1B0]  }
0xce: {  	v6 =	vld [tilespmem:s23+$0x1C0]  }
0xcf: {  	v18 =	vld [tilespmem:s23+$0x1D0]  }
0xd0: {  	v21 =	vld [tilespmem:s23+$0x100]  }
0xd1: {  	v22 =	vld [tilespmem:s23+$0x110]  }
0xd2: {  	v23 =	vld [tilespmem:s23+$0x120]  }
0xd3: {  	v24 =	vld [tilespmem:s23+$0x130]  }
0xd4: {  	v25 =	vld [tilespmem:s23+$0x140]  }
0xd5: {  	v28 =	vld [tilespmem:s23+$0x150]  }
0xd6: {  	v29 =	vld [tilespmem:s23+$0x80]  }
0xd7: {  	s24 =	sshll.u32 s21, $0x1;
	v30 =	vld [tilespmem:s23+$0x90]  }
0xd8: {  	v17 =	vmov s20;
	s25 =	simm.s32 $0x6;
	s26 =	simm.s32 $0x5;
	v15 =	vmov s24;
	v32 =	vld [tilespmem:s23+$0xA0]  }
0xd9: {  	s30 =	simm.s32 $0x2;
	v19 =	vshll.u32 v17, $0x3;
	v20 =	vmov s25;
	v26 =	vmov s26;
	v37 =	vld [tilespmem:s23+$0xB0]  }
0xda: {  	s31 =	simm.s32 $0x1;
	v31 =	vmov s30;
	v16 =	vshll.u32 v15, $0x8;
	v15 =	vshll.u32 v15, $0x7;
	v38 =	vld [tilespmem:s23+$0xC0]  }
0xdb: {  	v34 =	vmov s31;
	v16 =	vand.u32 $0x1800, v16;
	v15 =	vand.u32 $0x300, v15;
	v55 =	vld [tilespmem:s23+$0xD0]  }
0xdc: {  	v15 =	vor.u32 v15, v16;
	v16 =	vand.u32 $0x78, v17;
	v17 =	vand.u32 $0x400, v19;
	v56 =	vld [tilespmem:s23+$0x0]  }
0xdd: {  	s28 =	simm.s32 $0x7;
	v39 =	vand.u32 $0x7E, v20;
	v20 =	vshll.u32 v20, $0x3;
	v16 =	vor.u32 v17, v16;
	v27 =	vld [tilespmem:s23+$0xFFFFFE00]  }
0xde: {  	v41 =	vand.u32 $0x7D, v26;
	v19 =	vmov s28;
	v16 =	vor.u32 v15, v16;
	v35 =	vld [tilespmem:s23+$0xFFFFFE10]  }
0xdf: {  	v26 =	vshll.u32 v26, $0x3;
	v36 =	vand.u32 $0x7F, v19;
	v19 =	vshll.u32 v19, $0x3;
	v40 =	vld [tilespmem:s23+$0xFFFFFE20]  }
0xe0: {  	v9 =	vand.u32 $0x7A, v31;
	v31 =	vshll.u32 v31, $0x3;
	v19 =	vand.u32 $0x400, v19;
	v42 =	vld [tilespmem:s23+$0xFFFFFE30]  }
0xe1: {  	v10 =	vand.u32 $0x79, v34;
	v34 =	vshll.u32 v34, $0x3;
	v19 =	vor.u32 v19, v36;
	v43 =	vld [tilespmem:s23+$0xFFFFFE40]  }
0xe2: {  	s29 =	simm.s32 $0x4;
	v20 =	vand.u32 $0x400, v20;
	v31 =	vand.u32 $0x400, v31;
	s28 =	simm.s32 $0x3;
	v19 =	vor.u32 v15, v19;
	v46 =	vld [tilespmem:s23+$0xFFFFFE50]  }
0xe3: {  	v20 =	vor.u32 v20, v39;
	v17 =	vmov s29;
	v33 =	vmov s28;
	v45 =	vld.idx.msk [tilespmem:v16+s16+$0x0], $0xffff  }
0xe4: {  	v20 =	vor.u32 v15, v20;
	v63 =	vand.u32 $0x7C, v17;
	v17 =	vshll.u32 v17, $0x3;
	v47 =	vld [tilespmem:s23+$0xFFFFFE60]  }
0xe5: {  	v44 =	vand.u32 $0x7B, v33;
	v17 =	vand.u32 $0x400, v17;
	v49 =	vld [tilespmem:s23+$0xFFFFFE70];
	v16 =	vshll.u32 v33, $0x3  }
0xe6: {  	v57 =	vld [tilespmem:s23+$0x10];
	v48 =	vand.u32 $0x400, v16;
	v16 =	vand.u32 $0x400, v26;
	v26 =	vand.u32 $0x400, v34  }
0xe7: {  	v11 =	vor.u32 v16, v41;
	v16 =	vld.idx.msk [tilespmem:v19+s16+$0x0], $0xffff;
	v19 =	vor.u32 v48, v44;
	v48 =	vor.u32 v17, v63  }
0xe8: {  	v58 =	vld [tilespmem:s23+$0xFFFFFF80];
	v50 =	vor.u32 v15, v11;
	v61 =	vmul.f32 v27, v45;
	v7 =	vmul.f32 v35, v45  }
0xe9: {  	v59 =	vld [tilespmem:s23+$0xFFFFFF90];
	v26 =	vor.u32 v26, v10;
	v53 =	vmul.f32 v40, v45;
	v54 =	vmul.f32 v42, v45  }
0xea: {  	v17 =	vld.idx.msk [tilespmem:v20+s16+$0x0], $0xffff;
	v52 =	vor.u32 v15, v48;
	v36 =	vmul.f32 v43, v45;
	v33 =	vmul.f32 v46, v45  }
0xeb: {  	v60 =	vld [tilespmem:s23+$0xFFFFFF00];
	v27 =	vor.u32 v31, v9;
	v34 =	vmul.f32 v47, v45;
	v31 =	vmul.f32 v49, v45  }
0xec: {  	v63 =	vor.u32 v15, v19;
	v41 =	vmul.f32 v1, v16;
	v42 =	vmul.f32 v4, v16;
	v4 =	vld [tilespmem:s23+$0xFFFFFF10]  }
0xed: {  	v1 =	vor.u32 v15, v27;
	v43 =	vmul.f32 v3, v16;
	v40 =	vmul.f32 v5, v16;
	v20 =	vld.idx.msk [tilespmem:v50+s16+$0x0], $0xffff  }
0xee: {  	v3 =	vor.u32 v15, v26;
	v19 =	vmul.f32 v6, v16;
	v5 =	vld [tilespmem:s23+$0xFFFFFE80];
	v18 =	vmul.f32 v18, v16  }
0xef: {  	v47 =	vmul.f32 v21, v17;
	v48 =	vmul.f32 v22, v17;
	v6 =	vld [tilespmem:s23+$0xFFFFFE90]  }
0xf0: {  	v45 =	vmul.f32 v23, v17;
	v46 =	vmul.f32 v24, v17;
	v27 =	vld.idx.msk [tilespmem:v52+s16+$0x0], $0xffff  }
0xf1: {  	v26 =	vmul.f32 v25, v17;
	v25 =	vmul.f32 v28, v17;
	v35 =	vld.idx.msk [tilespmem:v63+s16+$0x0], $0xffff  }
0xf2: {  	v39 =	vld.idx.msk [tilespmem:v1+s16+$0x0], $0xffff;
	v51 =	vmul.f32 v29, v20;
	v52 =	vmul.f32 v30, v20  }
0xf3: {  	v24 =	vimm.f32 $0.0e+00;
	v44 =	vld.idx.msk [tilespmem:v3+s16+$0x0], $0xffff;
	v49 =	vmul.f32 v32, v20;
	v50 =	vmul.f32 v37, v20  }
0xf4: {  	v21 =	vld [tilespmem:s23+$0xFFFFFEA0];
	v23 =	vimm.f32 $0.0e+00;
	v29 =	vmul.f32 v38, v20;
	v28 =	vmul.f32 v55, v20  }
0xf5: {  	v22 =	vimm.f32 $0.0e+00;
	v1 =	vld [tilespmem:s23+$0xFFFFFEB0];
	v55 =	vmul.f32 v56, v27;
	v56 =	vmul.f32 v57, v27  }
0xf6: {  	v62 =	vld [tilespmem:s23+$0xFFFFFF20];
	v57 =	vmul.f32 v58, v35;
	v58 =	vmul.f32 v59, v35;
	v30 =	vimm.f32 $0.0e+00  }
0xf7: {  	v63 =	vld [tilespmem:s23+$0xFFFFFF30];
	v32 =	vimm.f32 $0.0e+00;
	v59 =	vmul.f32 v60, v39;
	v60 =	vmul.f32 v4, v39  }
0xf8: {  	v3 =	vmul.f32 v5, v44;
	v4 =	vmul.f32 v6, v44;
	v5 =	vadd.f32 v61, v30;
	v61 =	vld [tilespmem:s23+$0xFFFFFFA0]  }
0xf9: {  	s24 =	simm.s32 $0x8;
	v37 =	vld [tilespmem:s23+$0xFFFFFFB0];
	v6 =	vadd.f32 v7, v30;
	v38 =	vmul.f32 v21, v44;
	v21 =	vimm.f32 $0.0e+00  }
.LBB2_5:
0xfa: {  	p0 =	slt.u32 s24, $0xF8;
	v7 =	vadd.f32 v53, v30;
	v30 =	vadd.f32 v54, v32;
	v1 =	vmul.f32 v1, v44;
	v32 =	vld [tilespmem:s23+$0x20]  }
0xfb: {  	v3 =	vadd.f32 v3, v5;
	v4 =	vadd.f32 v4, v6;
	v5 =	vmul.f32 v62, v39;
	v6 =	vld [tilespmem:s23+$0x30]  }
0xfc: {  	v7 =	vadd.f32 v38, v7;
	v1 =	vadd.f32 v1, v30;
	v30 =	vmul.f32 v63, v39;
	v38 =	vld [tilespmem:s23+$0x40]  }
0xfd: {  	v3 =	vadd.f32 v59, v3;
	v4 =	vadd.f32 v60, v4;
	v53 =	vmul.f32 v61, v35;
	v54 =	vld [tilespmem:s23+$0x50]  }
0xfe: {  	v5 =	vadd.f32 v5, v7;
	v1 =	vadd.f32 v30, v1;
	v7 =	vmul.f32 v37, v35;
	v30 =	vld [tilespmem:s23+$0xFFFFFFC0]  }
0xff: {  	v3 =	vadd.f32 v57, v3;
	v4 =	vadd.f32 v58, v4;
	v37 =	vld [tilespmem:s23+$0xFFFFFFD0];
	v32 =	vmul.f32 v32, v27  }
0x100: {  	v57 =	vld [tilespmem:s23+$0xFFFFFF40];
	v5 =	vadd.f32 v53, v5;
	v1 =	vadd.f32 v7, v1;
	v6 =	vmul.f32 v6, v27  }
0x101: {  	v7 =	vld [tilespmem:s23+$0xFFFFFF50];
	v3 =	vadd.f32 v55, v3;
	v4 =	vadd.f32 v56, v4;
	v53 =	vmul.f32 v38, v27  }
0x102: {  	v38 =	vld [tilespmem:s23+$0xFFFFFEC0];
	v5 =	vadd.f32 v32, v5;
	v1 =	vadd.f32 v6, v1;
	v6 =	vmul.f32 v54, v27  }
0x103: {  	v32 =	vld [tilespmem:s23+$0xFFFFFED0];
	v54 =	vmul.f32 v30, v35;
	v3 =	vadd.f32 v51, v3;
	v4 =	vadd.f32 v52, v4  }
0x104: {  	v51 =	vld [tilespmem:s23+$0xFFFFFEE0];
	v52 =	vmul.f32 v37, v35;
	v5 =	vadd.f32 v49, v5;
	v1 =	vadd.f32 v50, v1  }
0x105: {  	v49 =	vld [tilespmem:s23+$0xFFFFFEF0];
	v50 =	vmul.f32 v57, v39;
	v3 =	vadd.f32 v47, v3;
	v4 =	vadd.f32 v48, v4  }
0x106: {  	v7 =	vmul.f32 v7, v39;
	v47 =	vld [tilespmem:s23+$0xFFFFFF60];
	v5 =	vadd.f32 v45, v5;
	v1 =	vadd.f32 v46, v1  }
0x107: {  	v45 =	vmul.f32 v38, v44;
	v46 =	vld [tilespmem:s23+$0xFFFFFF70];
	v37 =	vadd.f32 v41, v3;
	v38 =	vadd.f32 v43, v4  }
0x108: {  	v3 =	vmul.f32 v32, v44;
	v4 =	vld [tilespmem:s23+$0xFFFFFFE0];
	v30 =	vadd.f32 v42, v5;
	v32 =	vadd.f32 v40, v1  }
0x109: {  	v1 =	vadd.f32 v36, v24;
	v5 =	vadd.f32 v33, v23;
	v23 =	vmul.f32 v51, v44;
	v24 =	vld [tilespmem:s23+$0xFFFFFFF0]  }
0x10a: {  	v22 =	vadd.f32 v34, v22;
	v21 =	vadd.f32 v31, v21;
	v31 =	vmul.f32 v49, v44;
	v33 =	vld [tilespmem:s23+$0x60]  }
0x10b: {  	v1 =	vadd.f32 v45, v1;
	v3 =	vadd.f32 v3, v5;
	v5 =	vmul.f32 v47, v39;
	v34 =	vld [tilespmem:s23+$0x70]  }
0x10c: {  	v22 =	vadd.f32 v23, v22;
	v21 =	vadd.f32 v31, v21;
	v23 =	vmul.f32 v46, v39;
	v31 =	vld [tilespmem:s23+$0xE0]  }
0x10d: {  	v1 =	vadd.f32 v50, v1;
	v3 =	vadd.f32 v7, v3;
	v4 =	vmul.f32 v4, v35;
	v7 =	vld [tilespmem:s23+$0xF0]  }
0x10e: {  	v5 =	vadd.f32 v5, v22;
	v21 =	vadd.f32 v23, v21;
	v22 =	vmul.f32 v24, v35;
	v23 =	vld [tilespmem:s23+$0x160]  }
0x10f: {  	v1 =	vadd.f32 v54, v1;
	v3 =	vadd.f32 v52, v3;
	v24 =	vmul.f32 v33, v27;
	v33 =	vld [tilespmem:s23+$0x170]  }
0x110: {  	v4 =	vadd.f32 v4, v5;
	v5 =	vadd.f32 v22, v21;
	v21 =	vmul.f32 v34, v27;
	v22 =	vld [tilespmem:s23+$0x1E0]  }
0x111: {  	v1 =	vadd.f32 v53, v1;
	v3 =	vadd.f32 v6, v3;
	v6 =	vmul.f32 v31, v20;
	v31 =	vld [tilespmem:s23+$0x1F0];
	s23 =	sadd.s32 $0x400, s23  }
0x112: {  	v4 =	vadd.f32 v24, v4;
	v27 =	vld [tilespmem:s23+$0x180];
	v5 =	vadd.f32 v21, v5;
	v7 =	vmul.f32 v7, v20  }
0x113: {  	v1 =	vadd.f32 v29, v1;
	v3 =	vadd.f32 v28, v3;
	v35 =	vld [tilespmem:s23+$0x190];
	v20 =	vmul.f32 v23, v17  }
0x114: {  	v4 =	vadd.f32 v6, v4;
	v28 =	vld [tilespmem:s23+$0x1A0];
	v5 =	vadd.f32 v7, v5;
	v6 =	vmul.f32 v33, v17  }
0x115: {  	v1 =	vadd.f32 v26, v1;
	v3 =	vadd.f32 v25, v3;
	v29 =	vld [tilespmem:s23+$0x1B0];
	v7 =	vmul.f32 v22, v16  }
0x116: {  	v4 =	vadd.f32 v20, v4;
	v25 =	vld [tilespmem:s23+$0x1C0];
	v5 =	vadd.f32 v6, v5;
	v6 =	vmul.f32 v31, v16  }
0x117: {  	v24 =	vadd.f32 v19, v1;
	v23 =	vadd.f32 v18, v3;
	v26 =	vld [tilespmem:s23+$0x1D0]  }
0x118: {  	v22 =	vadd.f32 v7, v4;
	v39 =	vld [tilespmem:s23+$0x100];
	v21 =	vadd.f32 v6, v5  }
0x119: {  	v45 =	vld [tilespmem:s23+$0x110]  }
0x11a: {  	v44 =	vld [tilespmem:s23+$0x120]  }
0x11b: {  	v46 =	vld [tilespmem:s23+$0x130]  }
0x11c: {  	v51 =	vld [tilespmem:s23+$0x140]  }
0x11d: {  	v55 =	vld [tilespmem:s23+$0x150]  }
0x11e: {  	v49 =	vld [tilespmem:s23+$0x80]  }
0x11f: {  	v52 =	vld [tilespmem:s23+$0x90]  }
0x120: {  	v50 =	vld [tilespmem:s23+$0xA0]  }
0x121: {  	s25 =	sadd.s32 $0x7, s24;
	v1 =	vmov s24;
	v56 =	vld [tilespmem:s23+$0xB0]  }
0x122: {  	s26 =	sadd.s32 $0x6, s24;
	v3 =	vshll.u32 v1, $0x3;
	v4 =	vmov s25;
	v57 =	vld [tilespmem:s23+$0xC0]  }
0x123: {  	s28 =	sadd.s32 $0x5, s24;
	v1 =	vand.u32 $0x78, v1;
	s25 =	sadd.s32 $0x4, s24;
	v3 =	vand.u32 $0x400, v3;
	v6 =	vmov s26;
	v5 =	vld [tilespmem:s23+$0xD0]  }
0x124: {  	s29 =	sadd.s32 $0x3, s24;
	v16 =	vmov s28;
	s26 =	sadd.s32 $0x2, s24;
	v1 =	vor.u32 v3, v1;
	v3 =	vmov s25;
	v7 =	vld [tilespmem:s23+$0x0]  }
0x125: {  	v19 =	vmov s29;
	s25 =	sadd.s32 $0x1, s24;
	v18 =	vmov s26;
	v1 =	vor.u32 v15, v1;
	v17 =	vld [tilespmem:s23+$0xFFFFFE00]  }
0x126: {  	v33 =	vand.u32 $0x7F, v4;
	v4 =	vshll.u32 v4, $0x3;
	v31 =	vmov s25;
	v20 =	vld [tilespmem:s23+$0xFFFFFE10]  }
0x127: {  	v36 =	vand.u32 $0x7E, v6;
	v6 =	vshll.u32 v6, $0x3;
	v4 =	vand.u32 $0x400, v4;
	v34 =	vld [tilespmem:s23+$0xFFFFFE20]  }
0x128: {  	v41 =	vand.u32 $0x7D, v16;
	v16 =	vshll.u32 v16, $0x3;
	v4 =	vor.u32 v4, v33;
	v40 =	vld [tilespmem:s23+$0xFFFFFE30]  }
0x129: {  	v42 =	vand.u32 $0x7C, v3;
	v3 =	vshll.u32 v3, $0x3;
	v4 =	vor.u32 v15, v4;
	v33 =	vld [tilespmem:s23+$0xFFFFFE40]  }
0x12a: {  	v43 =	vand.u32 $0x7B, v19;
	v19 =	vshll.u32 v19, $0x3;
	v6 =	vand.u32 $0x400, v6;
	v1 =	vld.idx.msk [tilespmem:v1+s16+$0x0], $0xffff  }
0x12b: {  	v48 =	vand.u32 $0x7A, v18;
	v18 =	vshll.u32 v18, $0x3;
	v6 =	vor.u32 v6, v36;
	v47 =	vld [tilespmem:s23+$0xFFFFFE50]  }
0x12c: {  	v36 =	vand.u32 $0x79, v31;
	v31 =	vshll.u32 v31, $0x3;
	v6 =	vor.u32 v15, v6;
	v58 =	vld [tilespmem:s23+$0xFFFFFE60]  }
0x12d: {  	v19 =	vand.u32 $0x400, v19;
	v16 =	vand.u32 $0x400, v16;
	v3 =	vand.u32 $0x400, v3;
	v59 =	vld [tilespmem:s23+$0xFFFFFE70]  }
0x12e: {  	v41 =	vor.u32 v16, v41;
	v18 =	vand.u32 $0x400, v18;
	v31 =	vand.u32 $0x400, v31;
	v16 =	vld.idx.msk [tilespmem:v4+s16+$0x0], $0xffff  }
0x12f: {  	v3 =	vor.u32 v3, v42;
	v4 =	vor.u32 v19, v43;
	v19 =	vor.u32 v15, v41;
	v60 =	vld [tilespmem:s23+$0x10]  }
0x130: {  	v18 =	vor.u32 v18, v48;
	v8 =	vmul.f32 v17, v1;
	v9 =	vmul.f32 v20, v1;
	v61 =	vld [tilespmem:s23+$0xFFFFFF80]  }
0x131: {  	v53 =	vmul.f32 v34, v1;
	v54 =	vmul.f32 v40, v1;
	v40 =	vor.u32 v31, v36;
	v17 =	vld.idx.msk [tilespmem:v6+s16+$0x0], $0xffff  }
0x132: {  	v3 =	vor.u32 v15, v3;
	v36 =	vmul.f32 v33, v1;
	v33 =	vmul.f32 v47, v1;
	v6 =	vld [tilespmem:s23+$0xFFFFFF90]  }
0x133: {  	v34 =	vmul.f32 v58, v1;
	v31 =	vmul.f32 v59, v1;
	v1 =	vor.u32 v15, v4;
	v59 =	vld [tilespmem:s23+$0xFFFFFF00]  }
0x134: {  	v4 =	vor.u32 v15, v18;
	v41 =	vmul.f32 v27, v16;
	v43 =	vmul.f32 v35, v16;
	v20 =	vld.idx.msk [tilespmem:v19+s16+$0x0], $0xffff  }
0x135: {  	v58 =	vor.u32 v15, v40;
	v42 =	vmul.f32 v28, v16;
	v40 =	vmul.f32 v29, v16;
	v63 =	vld [tilespmem:s23+$0xFFFFFF10]  }
0x136: {  	v18 =	vmul.f32 v26, v16;
	v19 =	vmul.f32 v25, v16;
	v10 =	vld [tilespmem:s23+$0xFFFFFE80]  }
0x137: {  	v47 =	vmul.f32 v39, v17;
	v48 =	vmul.f32 v45, v17;
	v27 =	vld.idx.msk [tilespmem:v3+s16+$0x0], $0xffff  }
0x138: {  	v45 =	vmul.f32 v44, v17;
	v46 =	vmul.f32 v46, v17;
	v35 =	vld.idx.msk [tilespmem:v1+s16+$0x0], $0xffff  }
0x139: {  	v26 =	vmul.f32 v51, v17;
	v25 =	vmul.f32 v55, v17;
	v39 =	vld.idx.msk [tilespmem:v4+s16+$0x0], $0xffff  }
0x13a: {  	v51 =	vmul.f32 v49, v20;
	v52 =	vmul.f32 v52, v20;
	v44 =	vld.idx.msk [tilespmem:v58+s16+$0x0], $0xffff  }
0x13b: {  	v49 =	vmul.f32 v50, v20;
	v50 =	vmul.f32 v56, v20;
	v4 =	vld [tilespmem:s23+$0xFFFFFE90]  }
0x13c: {  	v29 =	vmul.f32 v57, v20;
	v28 =	vmul.f32 v5, v20;
	v11 =	vld [tilespmem:s23+$0xFFFFFEA0]  }
.Ltmp1:
0x13d: {  	v55 =	vmul.f32 v7, v27;
	v56 =	vmul.f32 v60, v27;
	v1 =	vld [tilespmem:s23+$0xFFFFFEB0];
	(pc) =	sbr.rel @p0 .LBB2_5-.Ltmp1, $4  }
0x13e: {  	v57 =	vmul.f32 v61, v35;
	v58 =	vmul.f32 v6, v35;
	v62 =	vld [tilespmem:s23+$0xFFFFFF20]  }
0x13f: {  	v59 =	vmul.f32 v59, v39;
	v60 =	vmul.f32 v63, v39;
	v63 =	vld [tilespmem:s23+$0xFFFFFF30]  }
0x140: {  	v3 =	vmul.f32 v10, v44;
	v4 =	vmul.f32 v4, v44;
	v61 =	vld [tilespmem:s23+$0xFFFFFFA0]  }
0x141: {  	s24 =	sadd.s32 $0x8, s24;
	v5 =	vadd.f32 v8, v37;
	v6 =	vadd.f32 v9, v38;
	v38 =	vmul.f32 v11, v44;
	v37 =	vld [tilespmem:s23+$0xFFFFFFB0]  }
0x142: {  	v7 =	vadd.f32 v53, v30;
	v8 =	vadd.f32 v54, v32  }
0x143: {  	v24 =	vadd.f32 v36, v24;
	v23 =	vadd.f32 v33, v23  }
0x144: {  	v1 =	vmul.f32 v1, v44;
	v9 =	vld [tilespmem:s23+$0x20];
	v22 =	vadd.f32 v34, v22;
	v21 =	vadd.f32 v31, v21  }
0x145: {  	v3 =	vadd.f32 v3, v5;
	v4 =	vadd.f32 v4, v6;
	v5 =	vmul.f32 v62, v39;
	v6 =	vld [tilespmem:s23+$0x30]  }
0x146: {  	v15 =	vld [tilespmem:s23+$0x50];
	v7 =	vadd.f32 v38, v7;
	v1 =	vadd.f32 v1, v8;
	v8 =	vmul.f32 v63, v39  }
0x147: {  	v10 =	vld [tilespmem:s23+$0x40];
	v3 =	vadd.f32 v59, v3;
	v4 =	vadd.f32 v60, v4  }
0x148: {  	v30 =	vld [tilespmem:s23+$0xFFFFFFD0];
	v5 =	vadd.f32 v5, v7;
	v1 =	vadd.f32 v8, v1;
	v7 =	vmul.f32 v37, v35  }
0x149: {  	v11 =	vmul.f32 v61, v35;
	v60 =	vld [tilespmem:s23+$0xFFFFFEE0];
	v3 =	vadd.f32 v57, v3;
	v4 =	vadd.f32 v58, v4  }
0x14a: {  	v8 =	vld [tilespmem:s23+$0xFFFFFFC0];
	v9 =	vmul.f32 v9, v27;
	v1 =	vadd.f32 v7, v1;
	v6 =	vmul.f32 v6, v27  }
0x14b: {  	v59 =	vmul.f32 v15, v27;
	v15 =	vld [tilespmem:s23+$0xFFFFFED0];
	v5 =	vadd.f32 v11, v5;
	v3 =	vadd.f32 v55, v3  }
0x14c: {  	v4 =	vadd.f32 v56, v4;
	v1 =	vadd.f32 v6, v1;
	v6 =	vld [tilespmem:s23+$0xFFFFFEC0]  }
0x14d: {  	v58 =	vld [tilespmem:s23+$0xFFFFFF50];
	v10 =	vmul.f32 v10, v27;
	v30 =	vmul.f32 v30, v35;
	v5 =	vadd.f32 v9, v5  }
0x14e: {  	v7 =	vld [tilespmem:s23+$0xFFFFFF40];
	v32 =	vmul.f32 v60, v44;
	v3 =	vadd.f32 v51, v3;
	v4 =	vadd.f32 v52, v4  }
0x14f: {  	v61 =	vld [tilespmem:s23+$0xFFFFFEF0];
	v8 =	vmul.f32 v8, v35;
	v5 =	vadd.f32 v49, v5;
	v1 =	vadd.f32 v50, v1  }
0x150: {  	v62 =	vld [tilespmem:s23+$0xFFFFFF60];
	v15 =	vmul.f32 v15, v44;
	v22 =	vadd.f32 v32, v22;
	v3 =	vadd.f32 v47, v3  }
0x151: {  	v63 =	vld [tilespmem:s23+$0xFFFFFF70];
	v4 =	vadd.f32 v48, v4;
	v5 =	vadd.f32 v45, v5;
	v6 =	vmul.f32 v6, v44  }
0x152: {  	v11 =	vmul.f32 v58, v39;
	v1 =	vadd.f32 v46, v1;
	v45 =	vld [tilespmem:s23+$0xFFFFFFE0];
	v15 =	vadd.f32 v15, v23  }
0x153: {  	v7 =	vmul.f32 v7, v39;
	v46 =	vld [tilespmem:s23+$0xFFFFFFF0];
	v3 =	vadd.f32 v41, v3;
	v6 =	vadd.f32 v6, v24  }
0x154: {  	v31 =	vld [tilespmem:s23+$0x60];
	v4 =	vadd.f32 v43, v4;
	v5 =	vadd.f32 v42, v5;
	v24 =	vmul.f32 v61, v44  }
0x155: {  	v47 =	vld [tilespmem:s23+$0x70];
	v23 =	vmul.f32 v62, v39;
	v1 =	vadd.f32 v40, v1;
	v6 =	vadd.f32 v7, v6  }
0x156: {  	v11 =	vadd.f32 v11, v15;
	v7 =	vadd.f32 v24, v21;
	v21 =	vmul.f32 v63, v39;
	v24 =	vld [tilespmem:s23+$0xE0]  }
0x157: {  	v48 =	vld [tilespmem:s23+$0xF0];
	v22 =	vadd.f32 v23, v22;
	v15 =	vmul.f32 v45, v35;
	v6 =	vadd.f32 v8, v6  }
0x158: {  	v11 =	vadd.f32 v30, v11;
	v7 =	vadd.f32 v21, v7;
	v8 =	vmul.f32 v46, v35;
	v21 =	vld [tilespmem:s23+$0x160]  }
0x159: {  	v23 =	vmul.f32 v31, v27;
	v30 =	vld [tilespmem:s23+$0x170];
	v15 =	vadd.f32 v15, v22;
	v6 =	vadd.f32 v10, v6  }
0x15a: {  	v49 =	vld [tilespmem:s23+$0x1E0];
	v9 =	vadd.f32 v59, v11;
	v7 =	vadd.f32 v8, v7;
	v8 =	vmul.f32 v47, v27  }
0x15b: {  	s29 =	sshll.u32 s21, $0x8;
	v22 =	vld [tilespmem:s23+$0x1F0];
	v15 =	vadd.f32 v23, v15;
	v50 =	vmul.f32 v24, v20;
	v6 =	vadd.f32 v29, v6  }
0x15c: {  	s23 =	sand.u32 $0x3FFFFF00, s29;
	v9 =	vadd.f32 v28, v9;
	v7 =	vadd.f32 v8, v7;
	v8 =	vmul.f32 v48, v20  }
0x15d: {  	[tilespmem:s23+$0x15000] =	vst v3;
	v20 =	vmul.f32 v21, v17;
	v11 =	vadd.f32 v50, v15;
	v6 =	vadd.f32 v26, v6  }
0x15e: {  	[tilespmem:s23+$0x15010] =	vst v4;
	v3 =	vadd.f32 v8, v7;
	v7 =	vmul.f32 v30, v17;
	v8 =	vadd.f32 v25, v9  }
0x15f: {  	v4 =	vmul.f32 v49, v16;
	[tilespmem:s23+$0x15020] =	vst v5;
	v51 =	vadd.f32 v20, v11;
	v6 =	vadd.f32 v19, v6  }
0x160: {  	[tilespmem:s23+$0x15030] =	vst v1;
	v5 =	vmul.f32 v22, v16;
	v3 =	vadd.f32 v7, v3;
	v7 =	vadd.f32 v18, v8  }
0x161: {  	v1 =	vadd.f32 v4, v51;
	[tilespmem:s23+$0x15040] =	vst v6  }
0x162: {  	v3 =	vadd.f32 v5, v3;
	[tilespmem:s23+$0x15050] =	vst v7  }
0x163: {  	[tilespmem:s23+$0x15060] =	vst v1  }
0x164: {  	[tilespmem:s23+$0x15070] =	vst v3  }
0x165: {  	_ =	swait.ge [sflag:s17], $0x4000  }
0x166: {  	[sflag:s17] =	ssyncset.done $0x0  }
0x167: {  	p0 =	seq.s32 s21, $0xF;
	[sflag:s17] =	ssyncadd.s32 $0xFFFFC000  }
0x168: {  	s23 =	sshll.u32 @!p0 s21, $0x9;
	_ =	swait.ge [sflag:s17], $0x4000  }
0x169: {  	s25 =	simm.s32 @!p0 $0x80;
	s23 =	sand.u32 @!p0 $0x3FFFFE00, s23;
	[sflag:s17] =	ssyncset.done $0x0  }
0x16a: {  	s26 =	simm.s32 @!p0 $0x5000;
	s24 =	sadd.s32 @!p0 $0x200, s23;
	[sflag:s17] =	ssyncadd.s32 $0xFFFFC000  }
0x16b: {  	[tilespmem:s26], [sflag:$0x1] =	stream.indirect.gather @!p0 [hbm4b:s0+s25], $0x80, s24, s25, $0xb8;
	[tilespmem:$0x16000] =	vst v63  }
0x16c: {  	s23 =	sadd.s32 @!p0 $0x280, s23;
	s24 =	simm.s32 @!p0 $0x9000  }
0x16d: {  	[tilespmem:s24], [sflag:$0x1] =	stream.indirect.gather @!p0 [hbm4b:s0+s25], $0x80, s23, s25, $0xb8;
	[tilespmem:$0x16000] =	vst v63  }
0x16e: {  	s23 =	simm.s32 $0xD200  }
0x16f: {  	v1 =	vld [tilespmem:s23+$0x180]  }
0x170: {  	v3 =	vld [tilespmem:s23+$0x190]  }
0x171: {  	v4 =	vld [tilespmem:s23+$0x1A0]  }
0x172: {  	v5 =	vld [tilespmem:s23+$0x1B0]  }
0x173: {  	v6 =	vld [tilespmem:s23+$0x1C0]  }
0x174: {  	v7 =	vld [tilespmem:s23+$0x1D0]  }
0x175: {  	v8 =	vld [tilespmem:s23+$0x100]  }
0x176: {  	v9 =	vld [tilespmem:s23+$0x110]  }
0x177: {  	v10 =	vld [tilespmem:s23+$0x120]  }
0x178: {  	v11 =	vld [tilespmem:s23+$0x130]  }
0x179: {  	v21 =	vld [tilespmem:s23+$0x140]  }
0x17a: {  	v22 =	vld [tilespmem:s23+$0x150]  }
0x17b: {  	v23 =	vld [tilespmem:s23+$0x80]  }
0x17c: {  	v15 =	vmov s22;
	v24 =	vld [tilespmem:s23+$0x90]  }
0x17d: {  	v16 =	vshll.u32 v15, $0x8;
	v28 =	vld [tilespmem:s23+$0xA0]  }
0x17e: {  	s29 =	simm.s32 $0x5;
	v15 =	vshll.u32 v15, $0x7;
	v16 =	vand.u32 $0x1800, v16;
	s24 =	simm.s32 $0x0;
	v29 =	vld [tilespmem:s23+$0xB0]  }
0x17f: {  	s31 =	simm.s32 $0x7;
	v15 =	vand.u32 $0x380, v15;
	v20 =	vmov s29;
	v17 =	vmov s24;
	v30 =	vld [tilespmem:s23+$0xC0]  }
0x180: {  	s28 =	simm.s32 $0x4;
	v15 =	vor.u32 v15, v16;
	v18 =	vmov s31;
	v34 =	vld [tilespmem:s23+$0xD0];
	v17 =	vshll.u32 v17, $0x3  }
0x181: {  	v19 =	vmov s28;
	s31 =	simm.s32 $0x1;
	v61 =	vand.u32 $0x7D, v20;
	v37 =	vld [tilespmem:s23+$0x0];
	v16 =	vand.u32 $0x400, v17  }
0x182: {  	v20 =	vshll.u32 v20, $0x3;
	v31 =	vmov s31;
	v25 =	vld [tilespmem:s23+$0xFFFFFE00];
	v16 =	vor.u32 v15, v16  }
0x183: {  	v53 =	vand.u32 $0x7F, v18;
	v18 =	vshll.u32 v18, $0x3;
	v52 =	vld [tilespmem:s23+$0xFFFFFE10];
	v16 =	vor.u32 s24, v16  }
0x184: {  	s30 =	simm.s32 $0x6;
	v62 =	vand.u32 $0x7C, v19;
	v19 =	vshll.u32 v19, $0x3;
	v18 =	vand.u32 $0x400, v18;
	v55 =	vld [tilespmem:s23+$0xFFFFFE20]  }
0x185: {  	v35 =	vand.u32 $0x79, v31;
	v31 =	vshll.u32 v31, $0x3;
	v39 =	vld [tilespmem:s23+$0xFFFFFE30];
	v17 =	vmov s30  }
0x186: {  	v18 =	vor.u32 v18, v53;
	v40 =	vld [tilespmem:s23+$0xFFFFFE40];
	v54 =	vand.u32 $0x7E, v17;
	v17 =	vshll.u32 v17, $0x3  }
0x187: {  	v19 =	vand.u32 $0x400, v19;
	v18 =	vor.u32 v15, v18;
	v43 =	vld [tilespmem:s23+$0xFFFFFE50];
	s30 =	simm.s32 $0x3;
	v17 =	vand.u32 $0x400, v17  }
0x188: {  	v19 =	vor.u32 v19, v62;
	s26 =	simm.s32 $0x2;
	v27 =	vmov s30;
	v17 =	vor.u32 v17, v54;
	v42 =	vld.idx.msk [tilespmem:v16+s16+$0x0], $0xffff  }
0x189: {  	v26 =	vmov s26;
	v44 =	vld [tilespmem:s23+$0xFFFFFE60];
	v63 =	vand.u32 $0x7B, v27;
	v17 =	vor.u32 v15, v17  }
0x18a: {  	v49 =	vld [tilespmem:s23+$0xFFFFFE70];
	v16 =	vshll.u32 v27, $0x3;
	v27 =	vand.u32 $0x7A, v26;
	v26 =	vshll.u32 v26, $0x3  }
0x18b: {  	v38 =	vld [tilespmem:s23+$0x10];
	v48 =	vand.u32 $0x400, v16;
	v16 =	vand.u32 $0x400, v20;
	v20 =	vand.u32 $0x400, v31  }
0x18c: {  	v26 =	vand.u32 $0x400, v26;
	v31 =	vor.u32 v16, v61;
	v16 =	vld.idx.msk [tilespmem:v18+s16+$0x0], $0xffff;
	v18 =	vor.u32 v48, v63  }
0x18d: {  	v57 =	vld [tilespmem:s23+$0xFFFFFF80];
	v50 =	vor.u32 v15, v31;
	v61 =	vmul.f32 v25, v42;
	v12 =	vmul.f32 v52, v42  }
0x18e: {  	v60 =	vld [tilespmem:s23+$0xFFFFFF90];
	v63 =	vor.u32 v15, v18;
	v53 =	vmul.f32 v55, v42;
	v54 =	vmul.f32 v39, v42  }
0x18f: {  	v17 =	vld.idx.msk [tilespmem:v17+s16+$0x0], $0xffff;
	v25 =	vor.u32 v26, v27;
	v36 =	vmul.f32 v40, v42;
	v32 =	vmul.f32 v43, v42  }
0x190: {  	v62 =	vld [tilespmem:s23+$0xFFFFFF00];
	v26 =	vor.u32 v20, v35;
	v33 =	vmul.f32 v44, v42;
	v31 =	vmul.f32 v49, v42  }
0x191: {  	v41 =	vmul.f32 v1, v16;
	v1 =	vor.u32 v15, v25;
	v42 =	vmul.f32 v4, v16;
	v4 =	vld [tilespmem:s23+$0xFFFFFF10]  }
0x192: {  	v27 =	vor.u32 v15, v19;
	v43 =	vmul.f32 v3, v16;
	v40 =	vmul.f32 v5, v16;
	v20 =	vld.idx.msk [tilespmem:v50+s16+$0x0], $0xffff  }
0x193: {  	v3 =	vor.u32 v15, v26;
	v19 =	vmul.f32 v6, v16;
	v5 =	vld [tilespmem:s23+$0xFFFFFE80];
	v18 =	vmul.f32 v7, v16  }
0x194: {  	v47 =	vmul.f32 v8, v17;
	v48 =	vmul.f32 v9, v17;
	v6 =	vld [tilespmem:s23+$0xFFFFFE90]  }
0x195: {  	v45 =	vmul.f32 v10, v17;
	v46 =	vmul.f32 v11, v17;
	v35 =	vld.idx.msk [tilespmem:v63+s16+$0x0], $0xffff  }
0x196: {  	v26 =	vmul.f32 v21, v17;
	v25 =	vmul.f32 v22, v17;
	v39 =	vld.idx.msk [tilespmem:v1+s16+$0x0], $0xffff  }
0x197: {  	v27 =	vld.idx.msk [tilespmem:v27+s16+$0x0], $0xffff;
	v51 =	vmul.f32 v23, v20;
	v52 =	vmul.f32 v24, v20  }
0x198: {  	v22 =	vimm.f32 $0.0e+00;
	v44 =	vld.idx.msk [tilespmem:v3+s16+$0x0], $0xffff;
	v49 =	vmul.f32 v28, v20;
	v50 =	vmul.f32 v29, v20  }
0x199: {  	v7 =	vld [tilespmem:s23+$0xFFFFFEA0];
	v21 =	vimm.f32 $0.0e+00;
	v29 =	vmul.f32 v30, v20;
	v28 =	vmul.f32 v34, v20  }
0x19a: {  	v1 =	vld [tilespmem:s23+$0xFFFFFEB0];
	v57 =	vmul.f32 v57, v35;
	v58 =	vmul.f32 v60, v35;
	v30 =	vimm.f32 $0.0e+00  }
0x19b: {  	v34 =	vimm.f32 $0.0e+00;
	v24 =	vimm.f32 $0.0e+00;
	v59 =	vmul.f32 v62, v39;
	v62 =	vld [tilespmem:s23+$0xFFFFFF20]  }
0x19c: {  	v63 =	vld [tilespmem:s23+$0xFFFFFF30];
	v23 =	vimm.f32 $0.0e+00;
	v55 =	vmul.f32 v37, v27;
	v56 =	vmul.f32 v38, v27  }
0x19d: {  	v60 =	vmul.f32 v4, v39;
	v3 =	vmul.f32 v5, v44;
	v5 =	vadd.f32 v61, v30;
	v61 =	vld [tilespmem:s23+$0xFFFFFFA0]  }
0x19e: {  	s24 =	simm.s32 $0x8;
	v37 =	vld [tilespmem:s23+$0xFFFFFFB0];
	v4 =	vmul.f32 v6, v44;
	v6 =	vadd.f32 v12, v30;
	v38 =	vmul.f32 v7, v44  }
.LBB2_7:
0x19f: {  	p0 =	slt.u32 s24, $0xF8;
	v7 =	vadd.f32 v53, v30;
	v8 =	vadd.f32 v54, v34;
	v1 =	vmul.f32 v1, v44;
	v9 =	vld [tilespmem:s23+$0x20]  }
0x1a0: {  	v3 =	vadd.f32 v3, v5;
	v4 =	vadd.f32 v4, v6;
	v5 =	vmul.f32 v62, v39;
	v6 =	vld [tilespmem:s23+$0x30]  }
0x1a1: {  	v7 =	vadd.f32 v38, v7;
	v1 =	vadd.f32 v1, v8;
	v8 =	vmul.f32 v63, v39;
	v10 =	vld [tilespmem:s23+$0x40]  }
0x1a2: {  	v3 =	vadd.f32 v59, v3;
	v4 =	vadd.f32 v60, v4;
	v11 =	vmul.f32 v61, v35;
	v12 =	vld [tilespmem:s23+$0x50]  }
0x1a3: {  	v5 =	vadd.f32 v5, v7;
	v1 =	vadd.f32 v8, v1;
	v7 =	vmul.f32 v37, v35;
	v8 =	vld [tilespmem:s23+$0xFFFFFFC0]  }
0x1a4: {  	v3 =	vadd.f32 v57, v3;
	v4 =	vadd.f32 v58, v4;
	v30 =	vld [tilespmem:s23+$0xFFFFFFD0];
	v9 =	vmul.f32 v9, v27  }
0x1a5: {  	v34 =	vld [tilespmem:s23+$0xFFFFFF40];
	v5 =	vadd.f32 v11, v5;
	v1 =	vadd.f32 v7, v1;
	v6 =	vmul.f32 v6, v27  }
0x1a6: {  	v7 =	vld [tilespmem:s23+$0xFFFFFF50];
	v3 =	vadd.f32 v55, v3;
	v4 =	vadd.f32 v56, v4;
	v10 =	vmul.f32 v10, v27  }
0x1a7: {  	v11 =	vld [tilespmem:s23+$0xFFFFFEC0];
	v5 =	vadd.f32 v9, v5;
	v1 =	vadd.f32 v6, v1;
	v6 =	vmul.f32 v12, v27  }
0x1a8: {  	v9 =	vld [tilespmem:s23+$0xFFFFFED0];
	v8 =	vmul.f32 v8, v35;
	v3 =	vadd.f32 v51, v3;
	v4 =	vadd.f32 v52, v4  }
0x1a9: {  	v12 =	vld [tilespmem:s23+$0xFFFFFEE0];
	v51 =	vmul.f32 v30, v35;
	v5 =	vadd.f32 v49, v5;
	v1 =	vadd.f32 v50, v1  }
0x1aa: {  	v49 =	vld [tilespmem:s23+$0xFFFFFEF0];
	v50 =	vmul.f32 v34, v39;
	v3 =	vadd.f32 v47, v3;
	v4 =	vadd.f32 v48, v4  }
0x1ab: {  	v7 =	vmul.f32 v7, v39;
	v47 =	vld [tilespmem:s23+$0xFFFFFF60];
	v5 =	vadd.f32 v45, v5;
	v1 =	vadd.f32 v46, v1  }
0x1ac: {  	v11 =	vmul.f32 v11, v44;
	v45 =	vld [tilespmem:s23+$0xFFFFFF70];
	v37 =	vadd.f32 v41, v3;
	v38 =	vadd.f32 v43, v4  }
0x1ad: {  	v3 =	vmul.f32 v9, v44;
	v4 =	vld [tilespmem:s23+$0xFFFFFFE0];
	v30 =	vadd.f32 v42, v5;
	v34 =	vadd.f32 v40, v1  }
0x1ae: {  	v1 =	vadd.f32 v36, v24;
	v5 =	vadd.f32 v32, v23;
	v9 =	vmul.f32 v12, v44;
	v12 =	vld [tilespmem:s23+$0xFFFFFFF0]  }
0x1af: {  	v22 =	vadd.f32 v33, v22;
	v21 =	vadd.f32 v31, v21;
	v23 =	vmul.f32 v49, v44;
	v24 =	vld [tilespmem:s23+$0x60]  }
0x1b0: {  	v1 =	vadd.f32 v11, v1;
	v3 =	vadd.f32 v3, v5;
	v5 =	vmul.f32 v47, v39;
	v11 =	vld [tilespmem:s23+$0x70]  }
0x1b1: {  	v9 =	vadd.f32 v9, v22;
	v21 =	vadd.f32 v23, v21;
	v22 =	vmul.f32 v45, v39;
	v23 =	vld [tilespmem:s23+$0xE0]  }
0x1b2: {  	v1 =	vadd.f32 v50, v1;
	v3 =	vadd.f32 v7, v3;
	v4 =	vmul.f32 v4, v35;
	v7 =	vld [tilespmem:s23+$0xF0]  }
0x1b3: {  	v5 =	vadd.f32 v5, v9;
	v9 =	vadd.f32 v22, v21;
	v12 =	vmul.f32 v12, v35;
	v21 =	vld [tilespmem:s23+$0x160]  }
0x1b4: {  	v1 =	vadd.f32 v8, v1;
	v3 =	vadd.f32 v51, v3;
	v8 =	vmul.f32 v24, v27;
	v22 =	vld [tilespmem:s23+$0x170]  }
0x1b5: {  	v4 =	vadd.f32 v4, v5;
	v5 =	vadd.f32 v12, v9;
	v9 =	vmul.f32 v11, v27;
	v11 =	vld [tilespmem:s23+$0x1E0]  }
0x1b6: {  	v1 =	vadd.f32 v10, v1;
	v3 =	vadd.f32 v6, v3;
	v6 =	vmul.f32 v23, v20;
	v10 =	vld [tilespmem:s23+$0x1F0];
	s23 =	sadd.s32 $0x400, s23  }
0x1b7: {  	v4 =	vadd.f32 v8, v4;
	v27 =	vld [tilespmem:s23+$0x180];
	v5 =	vadd.f32 v9, v5;
	v7 =	vmul.f32 v7, v20  }
0x1b8: {  	v1 =	vadd.f32 v29, v1;
	v3 =	vadd.f32 v28, v3;
	v35 =	vld [tilespmem:s23+$0x190];
	v8 =	vmul.f32 v21, v17  }
0x1b9: {  	v4 =	vadd.f32 v6, v4;
	v28 =	vld [tilespmem:s23+$0x1A0];
	v5 =	vadd.f32 v7, v5;
	v6 =	vmul.f32 v22, v17  }
0x1ba: {  	v1 =	vadd.f32 v26, v1;
	v3 =	vadd.f32 v25, v3;
	v29 =	vld [tilespmem:s23+$0x1B0];
	v7 =	vmul.f32 v11, v16  }
0x1bb: {  	v4 =	vadd.f32 v8, v4;
	v25 =	vld [tilespmem:s23+$0x1C0];
	v5 =	vadd.f32 v6, v5;
	v6 =	vmul.f32 v10, v16  }
0x1bc: {  	v24 =	vadd.f32 v19, v1;
	v23 =	vadd.f32 v18, v3;
	v26 =	vld [tilespmem:s23+$0x1D0]  }
0x1bd: {  	v22 =	vadd.f32 v7, v4;
	v39 =	vld [tilespmem:s23+$0x100];
	v21 =	vadd.f32 v6, v5  }
0x1be: {  	v45 =	vld [tilespmem:s23+$0x110]  }
0x1bf: {  	v44 =	vld [tilespmem:s23+$0x120]  }
0x1c0: {  	v46 =	vld [tilespmem:s23+$0x130]  }
0x1c1: {  	v51 =	vld [tilespmem:s23+$0x140]  }
0x1c2: {  	v55 =	vld [tilespmem:s23+$0x150]  }
0x1c3: {  	v49 =	vld [tilespmem:s23+$0x80]  }
0x1c4: {  	v52 =	vld [tilespmem:s23+$0x90]  }
0x1c5: {  	v50 =	vld [tilespmem:s23+$0xA0]  }
0x1c6: {  	v1 =	vmov s24;
	v56 =	vld [tilespmem:s23+$0xB0]  }
0x1c7: {  	s25 =	sadd.s32 $0x6, s24;
	s26 =	sadd.s32 $0x7, s24;
	v1 =	vshll.u32 v1, $0x3;
	v57 =	vld [tilespmem:s23+$0xC0]  }
0x1c8: {  	s28 =	sadd.s32 $0x4, s24;
	s29 =	sadd.s32 $0x5, s24;
	v4 =	vmov s25;
	v1 =	vand.u32 $0x400, v1;
	v5 =	vmov s26;
	v3 =	vld [tilespmem:s23+$0xD0]  }
0x1c9: {  	v8 =	vmov s29;
	s25 =	sadd.s32 $0x2, s24;
	s26 =	sadd.s32 $0x3, s24;
	v6 =	vmov s28;
	v1 =	vor.u32 v15, v1;
	v7 =	vld [tilespmem:s23+$0x0]  }
0x1ca: {  	s28 =	sadd.s32 $0x1, s24;
	v10 =	vmov s25;
	v11 =	vmov s26;
	v1 =	vor.u32 s24, v1;
	v9 =	vld [tilespmem:s23+$0xFFFFFE00]  }
0x1cb: {  	v16 =	vmov s28;
	v17 =	vand.u32 $0x7F, v5;
	v5 =	vshll.u32 v5, $0x3;
	v12 =	vld [tilespmem:s23+$0xFFFFFE10]  }
0x1cc: {  	v19 =	vand.u32 $0x7E, v4;
	v4 =	vshll.u32 v4, $0x3;
	v5 =	vand.u32 $0x400, v5;
	v18 =	vld [tilespmem:s23+$0xFFFFFE20]  }
0x1cd: {  	v31 =	vand.u32 $0x7D, v8;
	v8 =	vshll.u32 v8, $0x3;
	v5 =	vor.u32 v5, v17;
	v20 =	vld [tilespmem:s23+$0xFFFFFE30]  }
0x1ce: {  	v17 =	vand.u32 $0x7C, v6;
	v6 =	vshll.u32 v6, $0x3;
	v5 =	vor.u32 v15, v5;
	v32 =	vld [tilespmem:s23+$0xFFFFFE40]  }
0x1cf: {  	v4 =	vand.u32 $0x400, v4;
	v33 =	vand.u32 $0x7B, v11;
	v11 =	vshll.u32 v11, $0x3;
	v1 =	vld.idx.msk [tilespmem:v1+s16+$0x0], $0xffff  }
0x1d0: {  	v36 =	vand.u32 $0x7A, v10;
	v10 =	vshll.u32 v10, $0x3;
	v4 =	vor.u32 v4, v19;
	v40 =	vld [tilespmem:s23+$0xFFFFFE50]  }
0x1d1: {  	v41 =	vand.u32 $0x79, v16;
	v16 =	vshll.u32 v16, $0x3;
	v4 =	vor.u32 v15, v4;
	v19 =	vld [tilespmem:s23+$0xFFFFFE60]  }
0x1d2: {  	v8 =	vand.u32 $0x400, v8;
	v11 =	vand.u32 $0x400, v11;
	v6 =	vand.u32 $0x400, v6;
	v42 =	vld [tilespmem:s23+$0xFFFFFE70]  }
0x1d3: {  	v8 =	vor.u32 v8, v31;
	v10 =	vand.u32 $0x400, v10;
	v43 =	vand.u32 $0x400, v16;
	v16 =	vld.idx.msk [tilespmem:v5+s16+$0x0], $0xffff  }
0x1d4: {  	v8 =	vor.u32 v15, v8;
	v6 =	vor.u32 v6, v17;
	v5 =	vor.u32 v11, v33;
	v11 =	vld [tilespmem:s23+$0x10]  }
0x1d5: {  	v10 =	vor.u32 v10, v36;
	v9 =	vmul.f32 v9, v1;
	v12 =	vmul.f32 v12, v1;
	v58 =	vld [tilespmem:s23+$0xFFFFFF80]  }
0x1d6: {  	v53 =	vmul.f32 v18, v1;
	v54 =	vmul.f32 v20, v1;
	v18 =	vor.u32 v43, v41;
	v17 =	vld.idx.msk [tilespmem:v4+s16+$0x0], $0xffff  }
0x1d7: {  	v6 =	vor.u32 v15, v6;
	v36 =	vmul.f32 v32, v1;
	v32 =	vmul.f32 v40, v1;
	v4 =	vld [tilespmem:s23+$0xFFFFFF90]  }
0x1d8: {  	v33 =	vmul.f32 v19, v1;
	v31 =	vmul.f32 v42, v1;
	v1 =	vor.u32 v15, v5;
	v59 =	vld [tilespmem:s23+$0xFFFFFF00]  }
0x1d9: {  	v5 =	vor.u32 v15, v10;
	v41 =	vmul.f32 v27, v16;
	v43 =	vmul.f32 v35, v16;
	v20 =	vld.idx.msk [tilespmem:v8+s16+$0x0], $0xffff  }
0x1da: {  	v42 =	vmul.f32 v28, v16;
	v40 =	vmul.f32 v29, v16;
	v8 =	vor.u32 v15, v18;
	v10 =	vld [tilespmem:s23+$0xFFFFFF10]  }
0x1db: {  	v19 =	vmul.f32 v25, v16;
	v18 =	vmul.f32 v26, v16;
	v61 =	vld [tilespmem:s23+$0xFFFFFE80]  }
0x1dc: {  	v47 =	vmul.f32 v39, v17;
	v48 =	vmul.f32 v45, v17;
	v27 =	vld.idx.msk [tilespmem:v6+s16+$0x0], $0xffff  }
0x1dd: {  	v45 =	vmul.f32 v44, v17;
	v46 =	vmul.f32 v46, v17;
	v35 =	vld.idx.msk [tilespmem:v1+s16+$0x0], $0xffff  }
0x1de: {  	v26 =	vmul.f32 v51, v17;
	v25 =	vmul.f32 v55, v17;
	v39 =	vld.idx.msk [tilespmem:v5+s16+$0x0], $0xffff  }
0x1df: {  	v51 =	vmul.f32 v49, v20;
	v52 =	vmul.f32 v52, v20;
	v44 =	vld.idx.msk [tilespmem:v8+s16+$0x0], $0xffff  }
0x1e0: {  	v49 =	vmul.f32 v50, v20;
	v50 =	vmul.f32 v56, v20;
	v5 =	vld [tilespmem:s23+$0xFFFFFE90]  }
0x1e1: {  	v29 =	vmul.f32 v57, v20;
	v28 =	vmul.f32 v3, v20;
	v8 =	vld [tilespmem:s23+$0xFFFFFEA0]  }
.Ltmp2:
0x1e2: {  	v55 =	vmul.f32 v7, v27;
	v56 =	vmul.f32 v11, v27;
	v1 =	vld [tilespmem:s23+$0xFFFFFEB0];
	(pc) =	sbr.rel @p0 .LBB2_7-.Ltmp2, $4  }
0x1e3: {  	v57 =	vmul.f32 v58, v35;
	v58 =	vmul.f32 v4, v35;
	v62 =	vld [tilespmem:s23+$0xFFFFFF20]  }
0x1e4: {  	v59 =	vmul.f32 v59, v39;
	v60 =	vmul.f32 v10, v39;
	v63 =	vld [tilespmem:s23+$0xFFFFFF30]  }
0x1e5: {  	v3 =	vmul.f32 v61, v44;
	v4 =	vmul.f32 v5, v44;
	v61 =	vld [tilespmem:s23+$0xFFFFFFA0]  }
0x1e6: {  	s24 =	sadd.s32 $0x8, s24;
	v6 =	vadd.f32 v12, v38;
	v5 =	vadd.f32 v9, v37;
	v38 =	vmul.f32 v8, v44;
	v37 =	vld [tilespmem:s23+$0xFFFFFFB0]  }
0x1e7: {  	v7 =	vadd.f32 v53, v30  }
0x1e8: {  	v8 =	vadd.f32 v54, v34;
	v24 =	vadd.f32 v36, v24  }
0x1e9: {  	v9 =	vld [tilespmem:s23+$0x20];
	v23 =	vadd.f32 v32, v23;
	v22 =	vadd.f32 v33, v22  }
0x1ea: {  	v1 =	vmul.f32 v1, v44;
	v30 =	vld [tilespmem:s23+$0x30];
	v21 =	vadd.f32 v31, v21;
	v3 =	vadd.f32 v3, v5  }
0x1eb: {  	v10 =	vld [tilespmem:s23+$0x40];
	v4 =	vadd.f32 v4, v6;
	v62 =	vmul.f32 v62, v39;
	v7 =	vadd.f32 v38, v7  }
0x1ec: {  	v12 =	vld [tilespmem:s23+$0x50];
	v1 =	vadd.f32 v1, v8;
	v34 =	vmul.f32 v63, v39;
	v3 =	vadd.f32 v59, v3  }
0x1ed: {  	v53 =	vld [tilespmem:s23+$0xFFFFFFC0];
	v4 =	vadd.f32 v60, v4;
	v11 =	vmul.f32 v61, v35;
	v5 =	vadd.f32 v62, v7  }
0x1ee: {  	v59 =	vld [tilespmem:s23+$0xFFFFFEE0];
	v1 =	vadd.f32 v34, v1;
	v38 =	vmul.f32 v37, v35;
	v3 =	vadd.f32 v57, v3  }
0x1ef: {  	v15 =	vld [tilespmem:s23+$0xFFFFFFD0];
	v4 =	vadd.f32 v58, v4;
	v9 =	vmul.f32 v9, v27;
	v6 =	vmul.f32 v30, v27  }
0x1f0: {  	v10 =	vmul.f32 v10, v27;
	v57 =	vld [tilespmem:s23+$0xFFFFFEC0];
	v5 =	vadd.f32 v11, v5;
	v1 =	vadd.f32 v38, v1  }
0x1f1: {  	v58 =	vmul.f32 v12, v27;
	v12 =	vld [tilespmem:s23+$0xFFFFFED0];
	v3 =	vadd.f32 v55, v3;
	v4 =	vadd.f32 v56, v4  }
0x1f2: {  	v54 =	vld [tilespmem:s23+$0xFFFFFF40];
	v8 =	vmul.f32 v53, v35;
	v5 =	vadd.f32 v9, v5;
	v1 =	vadd.f32 v6, v1  }
0x1f3: {  	v56 =	vld [tilespmem:s23+$0xFFFFFF50];
	v30 =	vmul.f32 v59, v44;
	v3 =	vadd.f32 v51, v3;
	v4 =	vadd.f32 v52, v4  }
0x1f4: {  	v60 =	vld [tilespmem:s23+$0xFFFFFEF0];
	v15 =	vmul.f32 v15, v35;
	v5 =	vadd.f32 v49, v5;
	v1 =	vadd.f32 v50, v1  }
0x1f5: {  	v61 =	vld [tilespmem:s23+$0xFFFFFF60];
	v6 =	vmul.f32 v57, v44;
	v22 =	vadd.f32 v30, v22;
	v3 =	vadd.f32 v47, v3  }
0x1f6: {  	v62 =	vld [tilespmem:s23+$0xFFFFFF70];
	v12 =	vmul.f32 v12, v44;
	v4 =	vadd.f32 v48, v4;
	v5 =	vadd.f32 v45, v5  }
0x1f7: {  	v63 =	vld [tilespmem:s23+$0xFFFFFFE0];
	v7 =	vmul.f32 v54, v39;
	v1 =	vadd.f32 v46, v1;
	v6 =	vadd.f32 v6, v24  }
0x1f8: {  	v11 =	vmul.f32 v56, v39;
	v12 =	vadd.f32 v12, v23;
	v3 =	vadd.f32 v41, v3;
	v41 =	vld [tilespmem:s23+$0xFFFFFFF0]  }
0x1f9: {  	v4 =	vadd.f32 v43, v4;
	v43 =	vld [tilespmem:s23+$0x60];
	v5 =	vadd.f32 v42, v5;
	v42 =	vmul.f32 v60, v44  }
0x1fa: {  	v45 =	vld [tilespmem:s23+$0x70];
	v1 =	vadd.f32 v40, v1;
	v44 =	vmul.f32 v61, v39;
	v6 =	vadd.f32 v7, v6  }
0x1fb: {  	v47 =	vmul.f32 v62, v39;
	v48 =	vld [tilespmem:s23+$0xE0];
	v11 =	vadd.f32 v11, v12;
	v46 =	vadd.f32 v42, v21  }
0x1fc: {  	v49 =	vld [tilespmem:s23+$0xF0];
	v12 =	vmul.f32 v63, v35;
	v22 =	vadd.f32 v44, v22;
	v6 =	vadd.f32 v8, v6  }
0x1fd: {  	v51 =	vld [tilespmem:s23+$0x160];
	v11 =	vadd.f32 v15, v11;
	v7 =	vadd.f32 v47, v46;
	v50 =	vmul.f32 v41, v35  }
0x1fe: {  	v52 =	vld [tilespmem:s23+$0x170];
	v15 =	vmul.f32 v43, v27;
	v12 =	vadd.f32 v12, v22;
	v6 =	vadd.f32 v10, v6  }
0x1ff: {  	v54 =	vld [tilespmem:s23+$0x1E0];
	v53 =	vmul.f32 v45, v27;
	v9 =	vadd.f32 v58, v11;
	v7 =	vadd.f32 v50, v7  }
0x200: {  	s22 =	sshll.u32 s22, $0x7;
	v56 =	vld [tilespmem:s23+$0x1F0];
	v55 =	vmul.f32 v48, v20;
	v12 =	vadd.f32 v15, v12;
	v6 =	vadd.f32 v29, v6  }
0x201: {  	s22 =	sand.u32 $0x3FFFFF80, s22;
	v57 =	vmul.f32 v49, v20;
	v9 =	vadd.f32 v28, v9;
	v7 =	vadd.f32 v53, v7  }
0x202: {  	[tilespmem:s22+$0x15000] =	vst v3;
	v15 =	vmul.f32 v51, v17;
	v11 =	vadd.f32 v55, v12;
	v6 =	vadd.f32 v26, v6  }
0x203: {  	s21 =	sadd.s32 $0x1, s21;
	[tilespmem:s22+$0x15010] =	vst v4;
	v58 =	vmul.f32 v52, v17;
	v59 =	vadd.f32 v25, v9;
	v3 =	vadd.f32 v57, v7  }
0x204: {  	p0 =	sne.s32 s21, $0x10;
	v60 =	vmul.f32 v54, v16;
	[tilespmem:s22+$0x15020] =	vst v5;
	v61 =	vadd.f32 v15, v11;
	v6 =	vadd.f32 v19, v6  }
.Ltmp3:
0x205: {  	[tilespmem:s22+$0x15030] =	vst v1;
	v62 =	vmul.f32 v56, v16;
	v63 =	vadd.f32 v18, v59;
	v3 =	vadd.f32 v58, v3;
	(pc) =	sbr.rel @p0 .LBB2_4-.Ltmp3, $4  }
0x206: {  	v1 =	vadd.f32 v60, v61;
	[tilespmem:s22+$0x15040] =	vst v6  }
0x207: {  	[tilespmem:s22+$0x15050] =	vst v63;
	v3 =	vadd.f32 v62, v3  }
0x208: {  	[tilespmem:s22+$0x15060] =	vst v1  }
0x209: {  	[tilespmem:s22+$0x15070] =	vst v3  }
0x20a: {  	[hbm4b:s6+s3] =	stream.linear.scatter [tilespmem:s18], [sflag:$0x3], $0x1000, $0x38;
	[tilespmem:$0x16000] =	vst v63  }
0x20b: {  	_ =	swait.ge [sflag:s8], $0x1000  }
0x20c: {  	v15 =	vld [tilespmem:$0x1FF50]  }
0x20d: {  	v16 =	vld [tilespmem:$0x1FF60]  }
0x20e: {  	v5 =	vld [tilespmem:$0x1FF70]  }
0x20f: {  	v17 =	vld [tilespmem:$0x1FF80]  }
0x210: {  	s19 =	sadd.s32 $0x1, s19;
	v7 =	vld [tilespmem:$0x1FF90]  }
0x211: {  	p0 =	sne.s32 s19, s7;
	v8 =	vld [tilespmem:$0x1FFA0]  }
.Ltmp4:
0x212: {  	v9 =	vld [tilespmem:$0x1FFB0];
	(pc) =	sbr.rel @p0 .LBB2_1-.Ltmp4, $4  }
0x213: {  	v10 =	vld [tilespmem:$0x1FFC0]  }
0x214: {  	v11 =	vld [tilespmem:$0x1FFD0]  }
0x215: {  	[sflag:s8] =	ssyncset.done $0x0;
	v6 =	vld [tilespmem:$0x1FFE0]  }
0x216: {  	v12 =	vld [tilespmem:$0x1FFF0];
	[sflag:s8] =	ssyncadd.s32 $0xFFFFF000  }
0x217: {  	_ =	sfence.sel $0x180000  }
0x218: {  	[bflag:$0x0] =	sbarrier.arrive $0xFFFF  }
0x219: {  	p0 =	sne.s32 s2, $0x0;
	_ =	strace $0x90000047  }
0x21a: {  	s0 =	sadd.s32 @!p0 $0x100000, s1;
	[bflag:$0x2] =	sbarrier.arrive $0xFFFF  }
0x21b: {  	[sflag:s0] =	ssyncadd.tile.s32 @!p0 $0x1;
	_ =	shalt  }
.Lfunc_end2:
_tile_overlayer_lowered:
.L_overlay_start_2:
0x21c: {  	(tag) =	ssettag $0x2  }
0x21d: {  	s0 =	rddreg [dreg:$0x0];
	s2 =	stileid.u32  }
0x21e: {  	s1 =	rddreg [dreg:$0x1];
	p0 =	sne.s32 s2, $0x0  }
0x21f: {  	s3 =	rddreg [dreg:$0x2];
	[bflag:$0x3] =	sbarrier.arrive $0xFFFF;
	s2 =	simm.s32 @!p0 $0x1C03  }
0x220: {  	[timem:s3], [sflag:s2] =	dma.local @!p0 [hbm:s0], s1  }
0x221: {  	s0 =	simm.s32 @!p0 $0x3  }
0x222: {  	_ =	swait.ge @!p0 [sflag:s0], s1  }
0x223: {  	s1 =	ssub.s32 @!p0 $0x0, s1;
	[sflag:s0] =	ssyncset.done @!p0 $0x0  }
0x224: {  	[sflag:s0] =	ssyncadd.s32 @!p0 s1  }
0x225: {  	[bflag:$0x3] =	sbarrier.arrive $0xFFFF  }
0x226: {  	_ =	shalt  }

</sc_bundles>
